<compile_context>
chip_gen: v7x
topology: tpu7x:2x2x1
jax: 0.10.2.dev20260603
libtpu: 0.0.44.dev20260713+nightly
codegen_flags: <defaults>
</compile_context>

<pallas_src>
import functools

import jax
import jax.numpy as jnp
from jax import lax
from jax.experimental import pallas as pl
from jax.experimental.pallas import tpu as pltpu
from jax.experimental.pallas import tpu_sc as plsc

_VOCAB = 1000000
_DIM = 32
_BATCH = 4096
_HIST = 200

_NC = 2
_NS = 16
_NW = _NC * _NS

_RPW = _BATCH // _NW
_NRING = 8
_LOOK = 6
_NGROUPS = _RPW // _NRING
_HT = _HIST // 8


def _build():
    mesh = plsc.VectorSubcoreMesh(core_axis_name="c", subcore_axis_name="s")

    @functools.partial(
        pl.kernel,
        mesh=mesh,
        out_type=jax.ShapeDtypeStruct((_BATCH, _HIST, 128), jnp.float32),
        scratch_types=[
            pltpu.VMEM((_RPW, _HIST), jnp.int32),
            pltpu.VMEM((_NRING, _HIST, _DIM), jnp.float32),
            pltpu.SemaphoreType.DMA((_NRING,)),
            pltpu.SemaphoreType.DMA((_NRING,)),
        ],
        compiler_params=pltpu.CompilerParams(use_tc_tiling_on_sc=False,
                                             needs_layout_passes=False),
    )
    def gather_kernel(idx_hbm, table_hbm, out_hbm, idx_v, rows_v, gsem, osem):
        wid = lax.axis_index("s") * _NC + lax.axis_index("c")
        base = wid * _RPW
        pltpu.sync_copy(idx_hbm.at[pl.ds(base, _RPW), :], idx_v)

        def start_gather(j, b):
            pltpu.async_copy(table_hbm.at[idx_v.at[j]], rows_v.at[b],
                             gsem.at[b])

        def wait_gather(j, b):
            pltpu.make_async_copy(table_hbm.at[idx_v.at[j]], rows_v.at[b],
                                  gsem.at[b]).wait()

        def start_write(j, b):
            pltpu.async_copy(rows_v.at[b],
                             out_hbm.at[base + j, :, pl.ds(0, _DIM)],
                             osem.at[b])

        def wait_write(j, b):
            pltpu.make_async_copy(rows_v.at[b],
                                  out_hbm.at[base + j, :, pl.ds(0, _DIM)],
                                  osem.at[b]).wait()

        for b in range(_LOOK):
            start_gather(b, b)

        def body(g, carry):
            for b in range(_NRING):
                j = g * _NRING + b
                wait_gather(j, b)
                start_write(j, b)
                jg = j + _LOOK
                bg = (b + _LOOK) % _NRING

                @pl.when(jg < _RPW)
                def _():
                    @pl.when(jg >= _NRING)
                    def _():
                        wait_write(jg - _NRING, bg)
                    start_gather(jg, bg)
            return carry

        lax.fori_loop(0, _NGROUPS, body, 0)

        for b in range(_NRING):
            j = _RPW - _NRING + b
            wait_write(j, b)

    return gather_kernel


_gather = _build()


def kernel(x, table):
    op = _gather(x.astype(jnp.int32), table)
    return op[:, :, :_DIM]

# --- scband reference (transcript-rebuilt; emitter-appended) ---
"""Pipeline reference for scband-embedding-76072460747011 (READ-ONLY COPY).

The authoritative reference and input builder live on the scoring server;
editing this copy changes nothing except your own understanding.
"""

import jax, jax.numpy as jnp
import numpy as np

VOCAB = 1000000
EMBED_DIM = 32
BATCH = 4096
HIST = 200

def setup_inputs(seed: int = 0) -> dict:
    key = jax.random.key(seed)
    k_idx, k_tab = jax.random.split(key)
    x = jax.random.randint(k_idx, (BATCH, HIST), 0, VOCAB, dtype=jnp.int64 if jax.config.jax_enable_x64 else jnp.int32)
    table = jax.random.normal(k_tab, (VOCAB, EMBED_DIM), dtype=jnp.float32)
    return {"x": x, "table": table}

def reference(x, table):
    # nn.Embedding forward: gather rows of the table by index
    return jnp.take(table, x, axis=0)

if __name__ == "__main__":
    import jax
    _d = setup_inputs()
    print(jax.jit(kernel)(*tuple(_d.values())))

</pallas_src>

<mosaic_0001>
#map = affine_map<(d0, d1) -> (0, 0)>
#map1 = affine_map<(d0, d1) -> (0, 0, 0)>
module attributes {stable_mosaic.version = 14 : i64} {
  func.func @gather_kernel(%arg0: i32, %arg1: i32, %arg2: memref<4096x200xi32, #tpu.memory_space<hbm>>, %arg3: memref<1000000x32xf32, #tpu.memory_space<hbm>>, %arg4: memref<4096x200x128xf32, #tpu.memory_space<hbm>>, %arg5: memref<128x200xi32, #tpu.memory_space<vmem>>, %arg6: memref<8x200x32xf32, #tpu.memory_space<vmem>>, %arg7: memref<8x!tpu.dma_semaphore, #tpu.memory_space<semaphore_mem>>, %arg8: memref<8x!tpu.dma_semaphore, #tpu.memory_space<semaphore_mem>>) attributes {dimension_semantics = [#tpu.dimension_semantics<core_parallel>, #tpu.dimension_semantics<subcore_parallel>], iteration_bounds = array<i64: 2, 16>, scalar_prefetch = 0 : i64, scratch_operands = 4 : i64, tpu.core_type = #tpu.core_type<sc_vector_subcore>, window_params = [{transform_indices = #map}, {transform_indices = #map}, {transform_indices = #map1}]} {
    %mul3A = arith.constant 2 : i32
    %mul3A_0 = arith.muli %arg1, %mul3A : i32
    %add3A = arith.addi %mul3A_0, %arg0 : i32
    %mul3A_1 = arith.constant 128 : i32
    %mul3A_2 = arith.muli %add3A, %mul3A_1 : i32
    "tpu.region"() ({
      %run_scoped3A = tpu.sem_alloc : memref<!tpu.dma_semaphore, #tpu.memory_space<semaphore_mem>>
      %dma_start3A_272 = arith.constant 0 : i32
      %dma_start3A_273 = tpu.memref_slice %arg2[%mul3A_2, %dma_start3A_272] : memref<4096x200xi32, #tpu.memory_space<hbm>> -> memref<128x200xi32, #tpu.memory_space<hbm>>
      %dma_start3A_274 = arith.constant 0 : i32
      %dma_start3A_275 = tpu.memref_slice %arg2[%mul3A_2, %dma_start3A_274] : memref<4096x200xi32, #tpu.memory_space<hbm>> -> memref<128x200xi32, #tpu.memory_space<hbm>>
      tpu.enqueue_dma source(%dma_start3A_275 : memref<128x200xi32, #tpu.memory_space<hbm>>) target(%arg5 : memref<128x200xi32, #tpu.memory_space<vmem>>) target_semaphore(%run_scoped3A : memref<!tpu.dma_semaphore, #tpu.memory_space<semaphore_mem>>)
      %dma_wait3A_276 = arith.constant 0 : i32
      %dma_wait3A_277 = tpu.memref_slice %arg2[%mul3A_2, %dma_wait3A_276] : memref<4096x200xi32, #tpu.memory_space<hbm>> -> memref<128x200xi32, #tpu.memory_space<hbm>>
      %dma_wait3A_278 = arith.constant 0 : i32
      %dma_wait3A_279 = tpu.memref_slice %arg2[%mul3A_2, %dma_wait3A_278] : memref<4096x200xi32, #tpu.memory_space<hbm>> -> memref<128x200xi32, #tpu.memory_space<hbm>>
      tpu.wait_dma2 semaphore(%run_scoped3A : memref<!tpu.dma_semaphore, #tpu.memory_space<semaphore_mem>>) src(%dma_wait3A_279 : memref<128x200xi32, #tpu.memory_space<hbm>>) dst(%arg5 : memref<128x200xi32, #tpu.memory_space<vmem>>)
      tpu.yield
    }) : () -> ()
    %dma_start3A = arith.constant 0 : i32
    %dma_start3A_3 = arith.constant 0 : i32
    %dma_start3A_4 = arith.constant 0 : i32
    %dma_start3A_5 = arith.constant 0 : i32
    %dma_start3A_6 = arith.constant 0 : i32
    %dma_start3A_7 = tpu.memref_slice %arg6[%dma_start3A_3, %dma_start3A_5, %dma_start3A_6] : memref<8x200x32xf32, #tpu.memory_space<vmem>> -> memref<1x200x32xf32, #tpu.memory_space<vmem>>
    %dma_start3A_8 = tpu.memref_squeeze %dma_start3A_7 : memref<1x200x32xf32, #tpu.memory_space<vmem>> -> memref<200x32xf32, #tpu.memory_space<vmem>>
    %dma_start3A_9 = arith.constant 0 : i32
    %dma_start3A_10 = tpu.memref_slice %arg5[%dma_start3A, %dma_start3A_9] : memref<128x200xi32, #tpu.memory_space<vmem>> -> memref<1x200xi32, #tpu.memory_space<vmem>>
    %dma_start3A_11 = tpu.memref_squeeze %dma_start3A_10 : memref<1x200xi32, #tpu.memory_space<vmem>> -> memref<200xi32, #tpu.memory_space<vmem>>
    %dma_start3A_12 = arith.constant 0 : i32
    %dma_start3A_13 = arith.constant 0 : i32
    %dma_start3A_14 = tpu.memref_slice %arg3[%dma_start3A_12, %dma_start3A_13] : memref<1000000x32xf32, #tpu.memory_space<hbm>> -> memref<1000000x32xf32, #tpu.memory_space<hbm>>
    %dma_start3A_15 = tpu.memref_slice %arg7[%dma_start3A_4] : memref<8x!tpu.dma_semaphore, #tpu.memory_space<semaphore_mem>> -> memref<1x!tpu.dma_semaphore, #tpu.memory_space<semaphore_mem>>
    %dma_start3A_16 = tpu.memref_squeeze %dma_start3A_15 : memref<1x!tpu.dma_semaphore, #tpu.memory_space<semaphore_mem>> -> memref<!tpu.dma_semaphore, #tpu.memory_space<semaphore_mem>>
    tpu.enqueue_indirect_dma source(%dma_start3A_14 : memref<1000000x32xf32, #tpu.memory_space<hbm>>) target(%dma_start3A_8 : memref<200x32xf32, #tpu.memory_space<vmem>>) offsets(%dma_start3A_11 : memref<200xi32, #tpu.memory_space<vmem>>) semaphore(%dma_start3A_16 : memref<!tpu.dma_semaphore, #tpu.memory_space<semaphore_mem>>)
    %dma_start3A_17 = arith.constant 1 : i32
    %dma_start3A_18 = arith.constant 1 : i32
    %dma_start3A_19 = arith.constant 1 : i32
    %dma_start3A_20 = arith.constant 0 : i32
    %dma_start3A_21 = arith.constant 0 : i32
    %dma_start3A_22 = tpu.memref_slice %arg6[%dma_start3A_18, %dma_start3A_20, %dma_start3A_21] : memref<8x200x32xf32, #tpu.memory_space<vmem>> -> memref<1x200x32xf32, #tpu.memory_space<vmem>>
    %dma_start3A_23 = tpu.memref_squeeze %dma_start3A_22 : memref<1x200x32xf32, #tpu.memory_space<vmem>> -> memref<200x32xf32, #tpu.memory_space<vmem>>
    %dma_start3A_24 = arith.constant 0 : i32
    %dma_start3A_25 = tpu.memref_slice %arg5[%dma_start3A_17, %dma_start3A_24] : memref<128x200xi32, #tpu.memory_space<vmem>> -> memref<1x200xi32, #tpu.memory_space<vmem>>
    %dma_start3A_26 = tpu.memref_squeeze %dma_start3A_25 : memref<1x200xi32, #tpu.memory_space<vmem>> -> memref<200xi32, #tpu.memory_space<vmem>>
    %dma_start3A_27 = arith.constant 0 : i32
    %dma_start3A_28 = arith.constant 0 : i32
    %dma_start3A_29 = tpu.memref_slice %arg3[%dma_start3A_27, %dma_start3A_28] : memref<1000000x32xf32, #tpu.memory_space<hbm>> -> memref<1000000x32xf32, #tpu.memory_space<hbm>>
    %dma_start3A_30 = tpu.memref_slice %arg7[%dma_start3A_19] : memref<8x!tpu.dma_semaphore, #tpu.memory_space<semaphore_mem>> -> memref<1x!tpu.dma_semaphore, #tpu.memory_space<semaphore_mem>>
    %dma_start3A_31 = tpu.memref_squeeze %dma_start3A_30 : memref<1x!tpu.dma_semaphore, #tpu.memory_space<semaphore_mem>> -> memref<!tpu.dma_semaphore, #tpu.memory_space<semaphore_mem>>
    tpu.enqueue_indirect_dma source(%dma_start3A_29 : memref<1000000x32xf32, #tpu.memory_space<hbm>>) target(%dma_start3A_23 : memref<200x32xf32, #tpu.memory_space<vmem>>) offsets(%dma_start3A_26 : memref<200xi32, #tpu.memory_space<vmem>>) semaphore(%dma_start3A_31 : memref<!tpu.dma_semaphore, #tpu.memory_space<semaphore_mem>>)
    %dma_start3A_32 = arith.constant 2 : i32
    %dma_start3A_33 = arith.constant 2 : i32
    %dma_start3A_34 = arith.constant 2 : i32
    %dma_start3A_35 = arith.constant 0 : i32
    %dma_start3A_36 = arith.constant 0 : i32
    %dma_start3A_37 = tpu.memref_slice %arg6[%dma_start3A_33, %dma_start3A_35, %dma_start3A_36] : memref<8x200x32xf32, #tpu.memory_space<vmem>> -> memref<1x200x32xf32, #tpu.memory_space<vmem>>
    %dma_start3A_38 = tpu.memref_squeeze %dma_start3A_37 : memref<1x200x32xf32, #tpu.memory_space<vmem>> -> memref<200x32xf32, #tpu.memory_space<vmem>>
    %dma_start3A_39 = arith.constant 0 : i32
    %dma_start3A_40 = tpu.memref_slice %arg5[%dma_start3A_32, %dma_start3A_39] : memref<128x200xi32, #tpu.memory_space<vmem>> -> memref<1x200xi32, #tpu.memory_space<vmem>>
    %dma_start3A_41 = tpu.memref_squeeze %dma_start3A_40 : memref<1x200xi32, #tpu.memory_space<vmem>> -> memref<200xi32, #tpu.memory_space<vmem>>
    %dma_start3A_42 = arith.constant 0 : i32
    %dma_start3A_43 = arith.constant 0 : i32
    %dma_start3A_44 = tpu.memref_slice %arg3[%dma_start3A_42, %dma_start3A_43] : memref<1000000x32xf32, #tpu.memory_space<hbm>> -> memref<1000000x32xf32, #tpu.memory_space<hbm>>
    %dma_start3A_45 = tpu.memref_slice %arg7[%dma_start3A_34] : memref<8x!tpu.dma_semaphore, #tpu.memory_space<semaphore_mem>> -> memref<1x!tpu.dma_semaphore, #tpu.memory_space<semaphore_mem>>
    %dma_start3A_46 = tpu.memref_squeeze %dma_start3A_45 : memref<1x!tpu.dma_semaphore, #tpu.memory_space<semaphore_mem>> -> memref<!tpu.dma_semaphore, #tpu.memory_space<semaphore_mem>>
    tpu.enqueue_indirect_dma source(%dma_start3A_44 : memref<1000000x32xf32, #tpu.memory_space<hbm>>) target(%dma_start3A_38 : memref<200x32xf32, #tpu.memory_space<vmem>>) offsets(%dma_start3A_41 : memref<200xi32, #tpu.memory_space<vmem>>) semaphore(%dma_start3A_46 : memref<!tpu.dma_semaphore, #tpu.memory_space<semaphore_mem>>)
    %dma_start3A_47 = arith.constant 3 : i32
    %dma_start3A_48 = arith.constant 3 : i32
    %dma_start3A_49 = arith.constant 3 : i32
    %dma_start3A_50 = arith.constant 0 : i32
    %dma_start3A_51 = arith.constant 0 : i32
    %dma_start3A_52 = tpu.memref_slice %arg6[%dma_start3A_48, %dma_start3A_50, %dma_start3A_51] : memref<8x200x32xf32, #tpu.memory_space<vmem>> -> memref<1x200x32xf32, #tpu.memory_space<vmem>>
    %dma_start3A_53 = tpu.memref_squeeze %dma_start3A_52 : memref<1x200x32xf32, #tpu.memory_space<vmem>> -> memref<200x32xf32, #tpu.memory_space<vmem>>
    %dma_start3A_54 = arith.constant 0 : i32
    %dma_start3A_55 = tpu.memref_slice %arg5[%dma_start3A_47, %dma_start3A_54] : memref<128x200xi32, #tpu.memory_space<vmem>> -> memref<1x200xi32, #tpu.memory_space<vmem>>
    %dma_start3A_56 = tpu.memref_squeeze %dma_start3A_55 : memref<1x200xi32, #tpu.memory_space<vmem>> -> memref<200xi32, #tpu.memory_space<vmem>>
    %dma_start3A_57 = arith.constant 0 : i32
    %dma_start3A_58 = arith.constant 0 : i32
    %dma_start3A_59 = tpu.memref_slice %arg3[%dma_start3A_57, %dma_start3A_58] : memref<1000000x32xf32, #tpu.memory_space<hbm>> -> memref<1000000x32xf32, #tpu.memory_space<hbm>>
    %dma_start3A_60 = tpu.memref_slice %arg7[%dma_start3A_49] : memref<8x!tpu.dma_semaphore, #tpu.memory_space<semaphore_mem>> -> memref<1x!tpu.dma_semaphore, #tpu.memory_space<semaphore_mem>>
    %dma_start3A_61 = tpu.memref_squeeze %dma_start3A_60 : memref<1x!tpu.dma_semaphore, #tpu.memory_space<semaphore_mem>> -> memref<!tpu.dma_semaphore, #tpu.memory_space<semaphore_mem>>
    tpu.enqueue_indirect_dma source(%dma_start3A_59 : memref<1000000x32xf32, #tpu.memory_space<hbm>>) target(%dma_start3A_53 : memref<200x32xf32, #tpu.memory_space<vmem>>) offsets(%dma_start3A_56 : memref<200xi32, #tpu.memory_space<vmem>>) semaphore(%dma_start3A_61 : memref<!tpu.dma_semaphore, #tpu.memory_space<semaphore_mem>>)
    %dma_start3A_62 = arith.constant 4 : i32
    %dma_start3A_63 = arith.constant 4 : i32
    %dma_start3A_64 = arith.constant 4 : i32
    %dma_start3A_65 = arith.constant 0 : i32
    %dma_start3A_66 = arith.constant 0 : i32
    %dma_start3A_67 = tpu.memref_slice %arg6[%dma_start3A_63, %dma_start3A_65, %dma_start3A_66] : memref<8x200x32xf32, #tpu.memory_space<vmem>> -> memref<1x200x32xf32, #tpu.memory_space<vmem>>
    %dma_start3A_68 = tpu.memref_squeeze %dma_start3A_67 : memref<1x200x32xf32, #tpu.memory_space<vmem>> -> memref<200x32xf32, #tpu.memory_space<vmem>>
    %dma_start3A_69 = arith.constant 0 : i32
    %dma_start3A_70 = tpu.memref_slice %arg5[%dma_start3A_62, %dma_start3A_69] : memref<128x200xi32, #tpu.memory_space<vmem>> -> memref<1x200xi32, #tpu.memory_space<vmem>>
    %dma_start3A_71 = tpu.memref_squeeze %dma_start3A_70 : memref<1x200xi32, #tpu.memory_space<vmem>> -> memref<200xi32, #tpu.memory_space<vmem>>
    %dma_start3A_72 = arith.constant 0 : i32
    %dma_start3A_73 = arith.constant 0 : i32
    %dma_start3A_74 = tpu.memref_slice %arg3[%dma_start3A_72, %dma_start3A_73] : memref<1000000x32xf32, #tpu.memory_space<hbm>> -> memref<1000000x32xf32, #tpu.memory_space<hbm>>
    %dma_start3A_75 = tpu.memref_slice %arg7[%dma_start3A_64] : memref<8x!tpu.dma_semaphore, #tpu.memory_space<semaphore_mem>> -> memref<1x!tpu.dma_semaphore, #tpu.memory_space<semaphore_mem>>
    %dma_start3A_76 = tpu.memref_squeeze %dma_start3A_75 : memref<1x!tpu.dma_semaphore, #tpu.memory_space<semaphore_mem>> -> memref<!tpu.dma_semaphore, #tpu.memory_space<semaphore_mem>>
    tpu.enqueue_indirect_dma source(%dma_start3A_74 : memref<1000000x32xf32, #tpu.memory_space<hbm>>) target(%dma_start3A_68 : memref<200x32xf32, #tpu.memory_space<vmem>>) offsets(%dma_start3A_71 : memref<200xi32, #tpu.memory_space<vmem>>) semaphore(%dma_start3A_76 : memref<!tpu.dma_semaphore, #tpu.memory_space<semaphore_mem>>)
    %dma_start3A_77 = arith.constant 5 : i32
    %dma_start3A_78 = arith.constant 5 : i32
    %dma_start3A_79 = arith.constant 5 : i32
    %dma_start3A_80 = arith.constant 0 : i32
    %dma_start3A_81 = arith.constant 0 : i32
    %dma_start3A_82 = tpu.memref_slice %arg6[%dma_start3A_78, %dma_start3A_80, %dma_start3A_81] : memref<8x200x32xf32, #tpu.memory_space<vmem>> -> memref<1x200x32xf32, #tpu.memory_space<vmem>>
    %dma_start3A_83 = tpu.memref_squeeze %dma_start3A_82 : memref<1x200x32xf32, #tpu.memory_space<vmem>> -> memref<200x32xf32, #tpu.memory_space<vmem>>
    %dma_start3A_84 = arith.constant 0 : i32
    %dma_start3A_85 = tpu.memref_slice %arg5[%dma_start3A_77, %dma_start3A_84] : memref<128x200xi32, #tpu.memory_space<vmem>> -> memref<1x200xi32, #tpu.memory_space<vmem>>
    %dma_start3A_86 = tpu.memref_squeeze %dma_start3A_85 : memref<1x200xi32, #tpu.memory_space<vmem>> -> memref<200xi32, #tpu.memory_space<vmem>>
    %dma_start3A_87 = arith.constant 0 : i32
    %dma_start3A_88 = arith.constant 0 : i32
    %dma_start3A_89 = tpu.memref_slice %arg3[%dma_start3A_87, %dma_start3A_88] : memref<1000000x32xf32, #tpu.memory_space<hbm>> -> memref<1000000x32xf32, #tpu.memory_space<hbm>>
    %dma_start3A_90 = tpu.memref_slice %arg7[%dma_start3A_79] : memref<8x!tpu.dma_semaphore, #tpu.memory_space<semaphore_mem>> -> memref<1x!tpu.dma_semaphore, #tpu.memory_space<semaphore_mem>>
    %dma_start3A_91 = tpu.memref_squeeze %dma_start3A_90 : memref<1x!tpu.dma_semaphore, #tpu.memory_space<semaphore_mem>> -> memref<!tpu.dma_semaphore, #tpu.memory_space<semaphore_mem>>
    tpu.enqueue_indirect_dma source(%dma_start3A_89 : memref<1000000x32xf32, #tpu.memory_space<hbm>>) target(%dma_start3A_83 : memref<200x32xf32, #tpu.memory_space<vmem>>) offsets(%dma_start3A_86 : memref<200xi32, #tpu.memory_space<vmem>>) semaphore(%dma_start3A_91 : memref<!tpu.dma_semaphore, #tpu.memory_space<semaphore_mem>>)
    %scan3A = arith.constant 0 : i32
    %scan3A_92 = arith.constant 0 : i32
    %scan3A_93 = arith.constant 16 : i32
    %scan3A_94 = arith.addi %scan3A_92, %scan3A_93 : i32
    %scan3A_95 = arith.constant 1 : i32
    scf.for %scan3A_272 = %scan3A_92 to %scan3A_94 step %scan3A_95  : i32 {
      %mul3A_273 = arith.constant 8 : i32
      %mul3A_274 = arith.muli %scan3A_272, %mul3A_273 : i32
      %add3A_275 = arith.constant 0 : i32
      %add3A_276 = arith.addi %mul3A_274, %add3A_275 : i32
      %dma_wait3A_277 = arith.constant 0 : i32
      %dma_wait3A_278 = arith.constant 0 : i32
      %dma_wait3A_279 = arith.constant 0 : i32
      %dma_wait3A_280 = arith.constant 0 : i32
      %dma_wait3A_281 = tpu.memref_slice %arg6[%dma_wait3A_277, %dma_wait3A_279, %dma_wait3A_280] : memref<8x200x32xf32, #tpu.memory_space<vmem>> -> memref<1x200x32xf32, #tpu.memory_space<vmem>>
      %dma_wait3A_282 = tpu.memref_squeeze %dma_wait3A_281 : memref<1x200x32xf32, #tpu.memory_space<vmem>> -> memref<200x32xf32, #tpu.memory_space<vmem>>
      %dma_wait3A_283 = arith.constant 0 : i32
      %dma_wait3A_284 = tpu.memref_slice %arg5[%add3A_276, %dma_wait3A_283] : memref<128x200xi32, #tpu.memory_space<vmem>> -> memref<1x200xi32, #tpu.memory_space<vmem>>
      %dma_wait3A_285 = tpu.memref_squeeze %dma_wait3A_284 : memref<1x200xi32, #tpu.memory_space<vmem>> -> memref<200xi32, #tpu.memory_space<vmem>>
      %dma_wait3A_286 = arith.constant 0 : i32
      %dma_wait3A_287 = arith.constant 0 : i32
      %dma_wait3A_288 = tpu.memref_slice %arg3[%dma_wait3A_286, %dma_wait3A_287] : memref<1000000x32xf32, #tpu.memory_space<hbm>> -> memref<1000000x32xf32, #tpu.memory_space<hbm>>
      %dma_wait3A_289 = tpu.memref_slice %arg7[%dma_wait3A_278] : memref<8x!tpu.dma_semaphore, #tpu.memory_space<semaphore_mem>> -> memref<1x!tpu.dma_semaphore, #tpu.memory_space<semaphore_mem>>
      %dma_wait3A_290 = tpu.memref_squeeze %dma_wait3A_289 : memref<1x!tpu.dma_semaphore, #tpu.memory_space<semaphore_mem>> -> memref<!tpu.dma_semaphore, #tpu.memory_space<semaphore_mem>>
      tpu.wait_indirect_dma semaphore(%dma_wait3A_290 : memref<!tpu.dma_semaphore, #tpu.memory_space<semaphore_mem>>) src(%dma_wait3A_288 : memref<1000000x32xf32, #tpu.memory_space<hbm>>) dst(%dma_wait3A_282 : memref<200x32xf32, #tpu.memory_space<vmem>>)
      %add3A_291 = arith.addi %mul3A_2, %add3A_276 : i32
      %dma_start3A_292 = arith.constant 0 : i32
      %dma_start3A_293 = arith.constant 0 : i32
      %dma_start3A_294 = arith.constant 0 : i32
      %dma_start3A_295 = arith.constant 0 : i32
      %dma_start3A_296 = tpu.memref_slice %arg6[%dma_start3A_292, %dma_start3A_294, %dma_start3A_295] : memref<8x200x32xf32, #tpu.memory_space<vmem>> -> memref<1x200x32xf32, #tpu.memory_space<vmem>>
      %dma_start3A_297 = tpu.memref_squeeze %dma_start3A_296 : memref<1x200x32xf32, #tpu.memory_space<vmem>> -> memref<200x32xf32, #tpu.memory_space<vmem>>
      %dma_start3A_298 = arith.constant 0 : i32
      %dma_start3A_299 = arith.constant 0 : i32
      %dma_start3A_300 = tpu.memref_slice %arg4[%add3A_291, %dma_start3A_298, %dma_start3A_299] : memref<4096x200x128xf32, #tpu.memory_space<hbm>> -> memref<1x200x32xf32, #tpu.memory_space<hbm>>
      %dma_start3A_301 = tpu.memref_squeeze %dma_start3A_300 : memref<1x200x32xf32, #tpu.memory_space<hbm>> -> memref<200x32xf32, #tpu.memory_space<hbm>>
      %dma_start3A_302 = tpu.memref_slice %arg8[%dma_start3A_293] : memref<8x!tpu.dma_semaphore, #tpu.memory_space<semaphore_mem>> -> memref<1x!tpu.dma_semaphore, #tpu.memory_space<semaphore_mem>>
      %dma_start3A_303 = tpu.memref_squeeze %dma_start3A_302 : memref<1x!tpu.dma_semaphore, #tpu.memory_space<semaphore_mem>> -> memref<!tpu.dma_semaphore, #tpu.memory_space<semaphore_mem>>
      %dma_start3A_304 = arith.constant 0 : i32
      %dma_start3A_305 = arith.constant 0 : i32
      %dma_start3A_306 = tpu.memref_slice %arg4[%add3A_291, %dma_start3A_304, %dma_start3A_305] : memref<4096x200x128xf32, #tpu.memory_space<hbm>> -> memref<1x200x32xf32, #tpu.memory_space<hbm>>
      %dma_start3A_307 = tpu.memref_squeeze %dma_start3A_306 : memref<1x200x32xf32, #tpu.memory_space<hbm>> -> memref<200x32xf32, #tpu.memory_space<hbm>>
      %dma_start3A_308 = arith.constant 0 : i32
      %dma_start3A_309 = arith.constant 0 : i32
      %dma_start3A_310 = tpu.memref_slice %arg6[%dma_start3A_292, %dma_start3A_308, %dma_start3A_309] : memref<8x200x32xf32, #tpu.memory_space<vmem>> -> memref<1x200x32xf32, #tpu.memory_space<vmem>>
      %dma_start3A_311 = tpu.memref_squeeze %dma_start3A_310 : memref<1x200x32xf32, #tpu.memory_space<vmem>> -> memref<200x32xf32, #tpu.memory_space<vmem>>
      tpu.enqueue_dma source(%dma_start3A_311 : memref<200x32xf32, #tpu.memory_space<vmem>>) target(%dma_start3A_307 : memref<200x32xf32, #tpu.memory_space<hbm>>) target_semaphore(%dma_start3A_303 : memref<!tpu.dma_semaphore, #tpu.memory_space<semaphore_mem>>)
      %add3A_312 = arith.constant 6 : i32
      %add3A_313 = arith.addi %add3A_276, %add3A_312 : i32
      %lt3A = arith.constant 128 : i32
      %lt3A_314 = arith.cmpi slt, %add3A_313, %lt3A : i32
      %convert_element_type3A = arith.extui %lt3A_314 : i1 to i32
      %cond3A = arith.constant 0 : i32
      %cond3A_315 = arith.cmpi ne, %convert_element_type3A, %cond3A : i32
      scf.if %cond3A_315 {
        %ge3A = arith.constant 8 : i32
        %ge3A_638 = arith.cmpi sge, %add3A_313, %ge3A : i32
        %convert_element_type3A_639 = arith.extui %ge3A_638 : i1 to i32
        %cond3A_640 = arith.constant 0 : i32
        %cond3A_641 = arith.cmpi ne, %convert_element_type3A_639, %cond3A_640 : i32
        scf.if %cond3A_641 {
          %sub3A = arith.constant 8 : i32
          %sub3A_656 = arith.subi %add3A_313, %sub3A : i32
          %add3A_657 = arith.addi %mul3A_2, %sub3A_656 : i32
          %dma_wait3A_658 = arith.constant 6 : i32
          %dma_wait3A_659 = arith.constant 6 : i32
          %dma_wait3A_660 = arith.constant 0 : i32
          %dma_wait3A_661 = arith.constant 0 : i32
          %dma_wait3A_662 = tpu.memref_slice %arg6[%dma_wait3A_658, %dma_wait3A_660, %dma_wait3A_661] : memref<8x200x32xf32, #tpu.memory_space<vmem>> -> memref<1x200x32xf32, #tpu.memory_space<vmem>>
          %dma_wait3A_663 = tpu.memref_squeeze %dma_wait3A_662 : memref<1x200x32xf32, #tpu.memory_space<vmem>> -> memref<200x32xf32, #tpu.memory_space<vmem>>
          %dma_wait3A_664 = arith.constant 0 : i32
          %dma_wait3A_665 = arith.constant 0 : i32
          %dma_wait3A_666 = tpu.memref_slice %arg4[%add3A_657, %dma_wait3A_664, %dma_wait3A_665] : memref<4096x200x128xf32, #tpu.memory_space<hbm>> -> memref<1x200x32xf32, #tpu.memory_space<hbm>>
          %dma_wait3A_667 = tpu.memref_squeeze %dma_wait3A_666 : memref<1x200x32xf32, #tpu.memory_space<hbm>> -> memref<200x32xf32, #tpu.memory_space<hbm>>
          %dma_wait3A_668 = tpu.memref_slice %arg8[%dma_wait3A_659] : memref<8x!tpu.dma_semaphore, #tpu.memory_space<semaphore_mem>> -> memref<1x!tpu.dma_semaphore, #tpu.memory_space<semaphore_mem>>
          %dma_wait3A_669 = tpu.memref_squeeze %dma_wait3A_668 : memref<1x!tpu.dma_semaphore, #tpu.memory_space<semaphore_mem>> -> memref<!tpu.dma_semaphore, #tpu.memory_space<semaphore_mem>>
          %dma_wait3A_670 = arith.constant 0 : i32
          %dma_wait3A_671 = arith.constant 0 : i32
          %dma_wait3A_672 = tpu.memref_slice %arg4[%add3A_657, %dma_wait3A_670, %dma_wait3A_671] : memref<4096x200x128xf32, #tpu.memory_space<hbm>> -> memref<1x200x32xf32, #tpu.memory_space<hbm>>
          %dma_wait3A_673 = tpu.memref_squeeze %dma_wait3A_672 : memref<1x200x32xf32, #tpu.memory_space<hbm>> -> memref<200x32xf32, #tpu.memory_space<hbm>>
          %dma_wait3A_674 = arith.constant 0 : i32
          %dma_wait3A_675 = arith.constant 0 : i32
          %dma_wait3A_676 = tpu.memref_slice %arg6[%dma_wait3A_658, %dma_wait3A_674, %dma_wait3A_675] : memref<8x200x32xf32, #tpu.memory_space<vmem>> -> memref<1x200x32xf32, #tpu.memory_space<vmem>>
          %dma_wait3A_677 = tpu.memref_squeeze %dma_wait3A_676 : memref<1x200x32xf32, #tpu.memory_space<vmem>> -> memref<200x32xf32, #tpu.memory_space<vmem>>
          tpu.wait_dma2 semaphore(%dma_wait3A_669 : memref<!tpu.dma_semaphore, #tpu.memory_space<semaphore_mem>>) src(%dma_wait3A_677 : memref<200x32xf32, #tpu.memory_space<vmem>>) dst(%dma_wait3A_673 : memref<200x32xf32, #tpu.memory_space<hbm>>)
        } else {
        }
        %dma_start3A_642 = arith.constant 6 : i32
        %dma_start3A_643 = arith.constant 6 : i32
        %dma_start3A_644 = arith.constant 0 : i32
        %dma_start3A_645 = arith.constant 0 : i32
        %dma_start3A_646 = tpu.memref_slice %arg6[%dma_start3A_642, %dma_start3A_644, %dma_start3A_645] : memref<8x200x32xf32, #tpu.memory_space<vmem>> -> memref<1x200x32xf32, #tpu.memory_space<vmem>>
        %dma_start3A_647 = tpu.memref_squeeze %dma_start3A_646 : memref<1x200x32xf32, #tpu.memory_space<vmem>> -> memref<200x32xf32, #tpu.memory_space<vmem>>
        %dma_start3A_648 = arith.constant 0 : i32
        %dma_start3A_649 = tpu.memref_slice %arg5[%add3A_313, %dma_start3A_648] : memref<128x200xi32, #tpu.memory_space<vmem>> -> memref<1x200xi32, #tpu.memory_space<vmem>>
        %dma_start3A_650 = tpu.memref_squeeze %dma_start3A_649 : memref<1x200xi32, #tpu.memory_space<vmem>> -> memref<200xi32, #tpu.memory_space<vmem>>
        %dma_start3A_651 = arith.constant 0 : i32
        %dma_start3A_652 = arith.constant 0 : i32
        %dma_start3A_653 = tpu.memref_slice %arg3[%dma_start3A_651, %dma_start3A_652] : memref<1000000x32xf32, #tpu.memory_space<hbm>> -> memref<1000000x32xf32, #tpu.memory_space<hbm>>
        %dma_start3A_654 = tpu.memref_slice %arg7[%dma_start3A_643] : memref<8x!tpu.dma_semaphore, #tpu.memory_space<semaphore_mem>> -> memref<1x!tpu.dma_semaphore, #tpu.memory_space<semaphore_mem>>
        %dma_start3A_655 = tpu.memref_squeeze %dma_start3A_654 : memref<1x!tpu.dma_semaphore, #tpu.memory_space<semaphore_mem>> -> memref<!tpu.dma_semaphore, #tpu.memory_space<semaphore_mem>>
        tpu.enqueue_indirect_dma source(%dma_start3A_653 : memref<1000000x32xf32, #tpu.memory_space<hbm>>) target(%dma_start3A_647 : memref<200x32xf32, #tpu.memory_space<vmem>>) offsets(%dma_start3A_650 : memref<200xi32, #tpu.memory_space<vmem>>) semaphore(%dma_start3A_655 : memref<!tpu.dma_semaphore, #tpu.memory_space<semaphore_mem>>)
      } else {
      }
      %mul3A_316 = arith.constant 8 : i32
      %mul3A_317 = arith.muli %scan3A_272, %mul3A_316 : i32
      %add3A_318 = arith.constant 1 : i32
      %add3A_319 = arith.addi %mul3A_317, %add3A_318 : i32
      %dma_wait3A_320 = arith.constant 1 : i32
      %dma_wait3A_321 = arith.constant 1 : i32
      %dma_wait3A_322 = arith.constant 0 : i32
      %dma_wait3A_323 = arith.constant 0 : i32
      %dma_wait3A_324 = tpu.memref_slice %arg6[%dma_wait3A_320, %dma_wait3A_322, %dma_wait3A_323] : memref<8x200x32xf32, #tpu.memory_space<vmem>> -> memref<1x200x32xf32, #tpu.memory_space<vmem>>
      %dma_wait3A_325 = tpu.memref_squeeze %dma_wait3A_324 : memref<1x200x32xf32, #tpu.memory_space<vmem>> -> memref<200x32xf32, #tpu.memory_space<vmem>>
      %dma_wait3A_326 = arith.constant 0 : i32
      %dma_wait3A_327 = tpu.memref_slice %arg5[%add3A_319, %dma_wait3A_326] : memref<128x200xi32, #tpu.memory_space<vmem>> -> memref<1x200xi32, #tpu.memory_space<vmem>>
      %dma_wait3A_328 = tpu.memref_squeeze %dma_wait3A_327 : memref<1x200xi32, #tpu.memory_space<vmem>> -> memref<200xi32, #tpu.memory_space<vmem>>
      %dma_wait3A_329 = arith.constant 0 : i32
      %dma_wait3A_330 = arith.constant 0 : i32
      %dma_wait3A_331 = tpu.memref_slice %arg3[%dma_wait3A_329, %dma_wait3A_330] : memref<1000000x32xf32, #tpu.memory_space<hbm>> -> memref<1000000x32xf32, #tpu.memory_space<hbm>>
      %dma_wait3A_332 = tpu.memref_slice %arg7[%dma_wait3A_321] : memref<8x!tpu.dma_semaphore, #tpu.memory_space<semaphore_mem>> -> memref<1x!tpu.dma_semaphore, #tpu.memory_space<semaphore_mem>>
      %dma_wait3A_333 = tpu.memref_squeeze %dma_wait3A_332 : memref<1x!tpu.dma_semaphore, #tpu.memory_space<semaphore_mem>> -> memref<!tpu.dma_semaphore, #tpu.memory_space<semaphore_mem>>
      tpu.wait_indirect_dma semaphore(%dma_wait3A_333 : memref<!tpu.dma_semaphore, #tpu.memory_space<semaphore_mem>>) src(%dma_wait3A_331 : memref<1000000x32xf32, #tpu.memory_space<hbm>>) dst(%dma_wait3A_325 : memref<200x32xf32, #tpu.memory_space<vmem>>)
      %add3A_334 = arith.addi %mul3A_2, %add3A_319 : i32
      %dma_start3A_335 = arith.constant 1 : i32
      %dma_start3A_336 = arith.constant 1 : i32
      %dma_start3A_337 = arith.constant 0 : i32
      %dma_start3A_338 = arith.constant 0 : i32
      %dma_start3A_339 = tpu.memref_slice %arg6[%dma_start3A_335, %dma_start3A_337, %dma_start3A_338] : memref<8x200x32xf32, #tpu.memory_space<vmem>> -> memref<1x200x32xf32, #tpu.memory_space<vmem>>
      %dma_start3A_340 = tpu.memref_squeeze %dma_start3A_339 : memref<1x200x32xf32, #tpu.memory_space<vmem>> -> memref<200x32xf32, #tpu.memory_space<vmem>>
      %dma_start3A_341 = arith.constant 0 : i32
      %dma_start3A_342 = arith.constant 0 : i32
      %dma_start3A_343 = tpu.memref_slice %arg4[%add3A_334, %dma_start3A_341, %dma_start3A_342] : memref<4096x200x128xf32, #tpu.memory_space<hbm>> -> memref<1x200x32xf32, #tpu.memory_space<hbm>>
      %dma_start3A_344 = tpu.memref_squeeze %dma_start3A_343 : memref<1x200x32xf32, #tpu.memory_space<hbm>> -> memref<200x32xf32, #tpu.memory_space<hbm>>
      %dma_start3A_345 = tpu.memref_slice %arg8[%dma_start3A_336] : memref<8x!tpu.dma_semaphore, #tpu.memory_space<semaphore_mem>> -> memref<1x!tpu.dma_semaphore, #tpu.memory_space<semaphore_mem>>
      %dma_start3A_346 = tpu.memref_squeeze %dma_start3A_345 : memref<1x!tpu.dma_semaphore, #tpu.memory_space<semaphore_mem>> -> memref<!tpu.dma_semaphore, #tpu.memory_space<semaphore_mem>>
      %dma_start3A_347 = arith.constant 0 : i32
      %dma_start3A_348 = arith.constant 0 : i32
      %dma_start3A_349 = tpu.memref_slice %arg4[%add3A_334, %dma_start3A_347, %dma_start3A_348] : memref<4096x200x128xf32, #tpu.memory_space<hbm>> -> memref<1x200x32xf32, #tpu.memory_space<hbm>>
      %dma_start3A_350 = tpu.memref_squeeze %dma_start3A_349 : memref<1x200x32xf32, #tpu.memory_space<hbm>> -> memref<200x32xf32, #tpu.memory_space<hbm>>
      %dma_start3A_351 = arith.constant 0 : i32
      %dma_start3A_352 = arith.constant 0 : i32
      %dma_start3A_353 = tpu.memref_slice %arg6[%dma_start3A_335, %dma_start3A_351, %dma_start3A_352] : memref<8x200x32xf32, #tpu.memory_space<vmem>> -> memref<1x200x32xf32, #tpu.memory_space<vmem>>
      %dma_start3A_354 = tpu.memref_squeeze %dma_start3A_353 : memref<1x200x32xf32, #tpu.memory_space<vmem>> -> memref<200x32xf32, #tpu.memory_space<vmem>>
      tpu.enqueue_dma source(%dma_start3A_354 : memref<200x32xf32, #tpu.memory_space<vmem>>) target(%dma_start3A_350 : memref<200x32xf32, #tpu.memory_space<hbm>>) target_semaphore(%dma_start3A_346 : memref<!tpu.dma_semaphore, #tpu.memory_space<semaphore_mem>>)
      %add3A_355 = arith.constant 6 : i32
      %add3A_356 = arith.addi %add3A_319, %add3A_355 : i32
      %lt3A_357 = arith.constant 128 : i32
      %lt3A_358 = arith.cmpi slt, %add3A_356, %lt3A_357 : i32
      %convert_element_type3A_359 = arith.extui %lt3A_358 : i1 to i32
      %cond3A_360 = arith.constant 0 : i32
      %cond3A_361 = arith.cmpi ne, %convert_element_type3A_359, %cond3A_360 : i32
      scf.if %cond3A_361 {
        %ge3A = arith.constant 8 : i32
        %ge3A_638 = arith.cmpi sge, %add3A_356, %ge3A : i32
        %convert_element_type3A_639 = arith.extui %ge3A_638 : i1 to i32
        %cond3A_640 = arith.constant 0 : i32
        %cond3A_641 = arith.cmpi ne, %convert_element_type3A_639, %cond3A_640 : i32
        scf.if %cond3A_641 {
          %sub3A = arith.constant 8 : i32
          %sub3A_656 = arith.subi %add3A_356, %sub3A : i32
          %add3A_657 = arith.addi %mul3A_2, %sub3A_656 : i32
          %dma_wait3A_658 = arith.constant 7 : i32
          %dma_wait3A_659 = arith.constant 7 : i32
          %dma_wait3A_660 = arith.constant 0 : i32
          %dma_wait3A_661 = arith.constant 0 : i32
          %dma_wait3A_662 = tpu.memref_slice %arg6[%dma_wait3A_658, %dma_wait3A_660, %dma_wait3A_661] : memref<8x200x32xf32, #tpu.memory_space<vmem>> -> memref<1x200x32xf32, #tpu.memory_space<vmem>>
          %dma_wait3A_663 = tpu.memref_squeeze %dma_wait3A_662 : memref<1x200x32xf32, #tpu.memory_space<vmem>> -> memref<200x32xf32, #tpu.memory_space<vmem>>
          %dma_wait3A_664 = arith.constant 0 : i32
          %dma_wait3A_665 = arith.constant 0 : i32
          %dma_wait3A_666 = tpu.memref_slice %arg4[%add3A_657, %dma_wait3A_664, %dma_wait3A_665] : memref<4096x200x128xf32, #tpu.memory_space<hbm>> -> memref<1x200x32xf32, #tpu.memory_space<hbm>>
          %dma_wait3A_667 = tpu.memref_squeeze %dma_wait3A_666 : memref<1x200x32xf32, #tpu.memory_space<hbm>> -> memref<200x32xf32, #tpu.memory_space<hbm>>
          %dma_wait3A_668 = tpu.memref_slice %arg8[%dma_wait3A_659] : memref<8x!tpu.dma_semaphore, #tpu.memory_space<semaphore_mem>> -> memref<1x!tpu.dma_semaphore, #tpu.memory_space<semaphore_mem>>
          %dma_wait3A_669 = tpu.memref_squeeze %dma_wait3A_668 : memref<1x!tpu.dma_semaphore, #tpu.memory_space<semaphore_mem>> -> memref<!tpu.dma_semaphore, #tpu.memory_space<semaphore_mem>>
          %dma_wait3A_670 = arith.constant 0 : i32
          %dma_wait3A_671 = arith.constant 0 : i32
          %dma_wait3A_672 = tpu.memref_slice %arg4[%add3A_657, %dma_wait3A_670, %dma_wait3A_671] : memref<4096x200x128xf32, #tpu.memory_space<hbm>> -> memref<1x200x32xf32, #tpu.memory_space<hbm>>
          %dma_wait3A_673 = tpu.memref_squeeze %dma_wait3A_672 : memref<1x200x32xf32, #tpu.memory_space<hbm>> -> memref<200x32xf32, #tpu.memory_space<hbm>>
          %dma_wait3A_674 = arith.constant 0 : i32
          %dma_wait3A_675 = arith.constant 0 : i32
          %dma_wait3A_676 = tpu.memref_slice %arg6[%dma_wait3A_658, %dma_wait3A_674, %dma_wait3A_675] : memref<8x200x32xf32, #tpu.memory_space<vmem>> -> memref<1x200x32xf32, #tpu.memory_space<vmem>>
          %dma_wait3A_677 = tpu.memref_squeeze %dma_wait3A_676 : memref<1x200x32xf32, #tpu.memory_space<vmem>> -> memref<200x32xf32, #tpu.memory_space<vmem>>
          tpu.wait_dma2 semaphore(%dma_wait3A_669 : memref<!tpu.dma_semaphore, #tpu.memory_space<semaphore_mem>>) src(%dma_wait3A_677 : memref<200x32xf32, #tpu.memory_space<vmem>>) dst(%dma_wait3A_673 : memref<200x32xf32, #tpu.memory_space<hbm>>)
        } else {
        }
        %dma_start3A_642 = arith.constant 7 : i32
        %dma_start3A_643 = arith.constant 7 : i32
        %dma_start3A_644 = arith.constant 0 : i32
        %dma_start3A_645 = arith.constant 0 : i32
        %dma_start3A_646 = tpu.memref_slice %arg6[%dma_start3A_642, %dma_start3A_644, %dma_start3A_645] : memref<8x200x32xf32, #tpu.memory_space<vmem>> -> memref<1x200x32xf32, #tpu.memory_space<vmem>>
        %dma_start3A_647 = tpu.memref_squeeze %dma_start3A_646 : memref<1x200x32xf32, #tpu.memory_space<vmem>> -> memref<200x32xf32, #tpu.memory_space<vmem>>
        %dma_start3A_648 = arith.constant 0 : i32
        %dma_start3A_649 = tpu.memref_slice %arg5[%add3A_356, %dma_start3A_648] : memref<128x200xi32, #tpu.memory_space<vmem>> -> memref<1x200xi32, #tpu.memory_space<vmem>>
        %dma_start3A_650 = tpu.memref_squeeze %dma_start3A_649 : memref<1x200xi32, #tpu.memory_space<vmem>> -> memref<200xi32, #tpu.memory_space<vmem>>
        %dma_start3A_651 = arith.constant 0 : i32
        %dma_start3A_652 = arith.constant 0 : i32
        %dma_start3A_653 = tpu.memref_slice %arg3[%dma_start3A_651, %dma_start3A_652] : memref<1000000x32xf32, #tpu.memory_space<hbm>> -> memref<1000000x32xf32, #tpu.memory_space<hbm>>
        %dma_start3A_654 = tpu.memref_slice %arg7[%dma_start3A_643] : memref<8x!tpu.dma_semaphore, #tpu.memory_space<semaphore_mem>> -> memref<1x!tpu.dma_semaphore, #tpu.memory_space<semaphore_mem>>
        %dma_start3A_655 = tpu.memref_squeeze %dma_start3A_654 : memref<1x!tpu.dma_semaphore, #tpu.memory_space<semaphore_mem>> -> memref<!tpu.dma_semaphore, #tpu.memory_space<semaphore_mem>>
        tpu.enqueue_indirect_dma source(%dma_start3A_653 : memref<1000000x32xf32, #tpu.memory_space<hbm>>) target(%dma_start3A_647 : memref<200x32xf32, #tpu.memory_space<vmem>>) offsets(%dma_start3A_650 : memref<200xi32, #tpu.memory_space<vmem>>) semaphore(%dma_start3A_655 : memref<!tpu.dma_semaphore, #tpu.memory_space<semaphore_mem>>)
      } else {
      }
      %mul3A_362 = arith.constant 8 : i32
      %mul3A_363 = arith.muli %scan3A_272, %mul3A_362 : i32
      %add3A_364 = arith.constant 2 : i32
      %add3A_365 = arith.addi %mul3A_363, %add3A_364 : i32
      %dma_wait3A_366 = arith.constant 2 : i32
      %dma_wait3A_367 = arith.constant 2 : i32
      %dma_wait3A_368 = arith.constant 0 : i32
      %dma_wait3A_369 = arith.constant 0 : i32
      %dma_wait3A_370 = tpu.memref_slice %arg6[%dma_wait3A_366, %dma_wait3A_368, %dma_wait3A_369] : memref<8x200x32xf32, #tpu.memory_space<vmem>> -> memref<1x200x32xf32, #tpu.memory_space<vmem>>
      %dma_wait3A_371 = tpu.memref_squeeze %dma_wait3A_370 : memref<1x200x32xf32, #tpu.memory_space<vmem>> -> memref<200x32xf32, #tpu.memory_space<vmem>>
      %dma_wait3A_372 = arith.constant 0 : i32
      %dma_wait3A_373 = tpu.memref_slice %arg5[%add3A_365, %dma_wait3A_372] : memref<128x200xi32, #tpu.memory_space<vmem>> -> memref<1x200xi32, #tpu.memory_space<vmem>>
      %dma_wait3A_374 = tpu.memref_squeeze %dma_wait3A_373 : memref<1x200xi32, #tpu.memory_space<vmem>> -> memref<200xi32, #tpu.memory_space<vmem>>
      %dma_wait3A_375 = arith.constant 0 : i32
      %dma_wait3A_376 = arith.constant 0 : i32
      %dma_wait3A_377 = tpu.memref_slice %arg3[%dma_wait3A_375, %dma_wait3A_376] : memref<1000000x32xf32, #tpu.memory_space<hbm>> -> memref<1000000x32xf32, #tpu.memory_space<hbm>>
      %dma_wait3A_378 = tpu.memref_slice %arg7[%dma_wait3A_367] : memref<8x!tpu.dma_semaphore, #tpu.memory_space<semaphore_mem>> -> memref<1x!tpu.dma_semaphore, #tpu.memory_space<semaphore_mem>>
      %dma_wait3A_379 = tpu.memref_squeeze %dma_wait3A_378 : memref<1x!tpu.dma_semaphore, #tpu.memory_space<semaphore_mem>> -> memref<!tpu.dma_semaphore, #tpu.memory_space<semaphore_mem>>
      tpu.wait_indirect_dma semaphore(%dma_wait3A_379 : memref<!tpu.dma_semaphore, #tpu.memory_space<semaphore_mem>>) src(%dma_wait3A_377 : memref<1000000x32xf32, #tpu.memory_space<hbm>>) dst(%dma_wait3A_371 : memref<200x32xf32, #tpu.memory_space<vmem>>)
      %add3A_380 = arith.addi %mul3A_2, %add3A_365 : i32
      %dma_start3A_381 = arith.constant 2 : i32
      %dma_start3A_382 = arith.constant 2 : i32
      %dma_start3A_383 = arith.constant 0 : i32
      %dma_start3A_384 = arith.constant 0 : i32
      %dma_start3A_385 = tpu.memref_slice %arg6[%dma_start3A_381, %dma_start3A_383, %dma_start3A_384] : memref<8x200x32xf32, #tpu.memory_space<vmem>> -> memref<1x200x32xf32, #tpu.memory_space<vmem>>
      %dma_start3A_386 = tpu.memref_squeeze %dma_start3A_385 : memref<1x200x32xf32, #tpu.memory_space<vmem>> -> memref<200x32xf32, #tpu.memory_space<vmem>>
      %dma_start3A_387 = arith.constant 0 : i32
      %dma_start3A_388 = arith.constant 0 : i32
      %dma_start3A_389 = tpu.memref_slice %arg4[%add3A_380, %dma_start3A_387, %dma_start3A_388] : memref<4096x200x128xf32, #tpu.memory_space<hbm>> -> memref<1x200x32xf32, #tpu.memory_space<hbm>>
      %dma_start3A_390 = tpu.memref_squeeze %dma_start3A_389 : memref<1x200x32xf32, #tpu.memory_space<hbm>> -> memref<200x32xf32, #tpu.memory_space<hbm>>
      %dma_start3A_391 = tpu.memref_slice %arg8[%dma_start3A_382] : memref<8x!tpu.dma_semaphore, #tpu.memory_space<semaphore_mem>> -> memref<1x!tpu.dma_semaphore, #tpu.memory_space<semaphore_mem>>
      %dma_start3A_392 = tpu.memref_squeeze %dma_start3A_391 : memref<1x!tpu.dma_semaphore, #tpu.memory_space<semaphore_mem>> -> memref<!tpu.dma_semaphore, #tpu.memory_space<semaphore_mem>>
      %dma_start3A_393 = arith.constant 0 : i32
      %dma_start3A_394 = arith.constant 0 : i32
      %dma_start3A_395 = tpu.memref_slice %arg4[%add3A_380, %dma_start3A_393, %dma_start3A_394] : memref<4096x200x128xf32, #tpu.memory_space<hbm>> -> memref<1x200x32xf32, #tpu.memory_space<hbm>>
      %dma_start3A_396 = tpu.memref_squeeze %dma_start3A_395 : memref<1x200x32xf32, #tpu.memory_space<hbm>> -> memref<200x32xf32, #tpu.memory_space<hbm>>
      %dma_start3A_397 = arith.constant 0 : i32
      %dma_start3A_398 = arith.constant 0 : i32
      %dma_start3A_399 = tpu.memref_slice %arg6[%dma_start3A_381, %dma_start3A_397, %dma_start3A_398] : memref<8x200x32xf32, #tpu.memory_space<vmem>> -> memref<1x200x32xf32, #tpu.memory_space<vmem>>
      %dma_start3A_400 = tpu.memref_squeeze %dma_start3A_399 : memref<1x200x32xf32, #tpu.memory_space<vmem>> -> memref<200x32xf32, #tpu.memory_space<vmem>>
      tpu.enqueue_dma source(%dma_start3A_400 : memref<200x32xf32, #tpu.memory_space<vmem>>) target(%dma_start3A_396 : memref<200x32xf32, #tpu.memory_space<hbm>>) target_semaphore(%dma_start3A_392 : memref<!tpu.dma_semaphore, #tpu.memory_space<semaphore_mem>>)
      %add3A_401 = arith.constant 6 : i32
      %add3A_402 = arith.addi %add3A_365, %add3A_401 : i32
      %lt3A_403 = arith.constant 128 : i32
      %lt3A_404 = arith.cmpi slt, %add3A_402, %lt3A_403 : i32
      %convert_element_type3A_405 = arith.extui %lt3A_404 : i1 to i32
      %cond3A_406 = arith.constant 0 : i32
      %cond3A_407 = arith.cmpi ne, %convert_element_type3A_405, %cond3A_406 : i32
      scf.if %cond3A_407 {
        %ge3A = arith.constant 8 : i32
        %ge3A_638 = arith.cmpi sge, %add3A_402, %ge3A : i32
        %convert_element_type3A_639 = arith.extui %ge3A_638 : i1 to i32
        %cond3A_640 = arith.constant 0 : i32
        %cond3A_641 = arith.cmpi ne, %convert_element_type3A_639, %cond3A_640 : i32
        scf.if %cond3A_641 {
          %sub3A = arith.constant 8 : i32
          %sub3A_656 = arith.subi %add3A_402, %sub3A : i32
          %add3A_657 = arith.addi %mul3A_2, %sub3A_656 : i32
          %dma_wait3A_658 = arith.constant 0 : i32
          %dma_wait3A_659 = arith.constant 0 : i32
          %dma_wait3A_660 = arith.constant 0 : i32
          %dma_wait3A_661 = arith.constant 0 : i32
          %dma_wait3A_662 = tpu.memref_slice %arg6[%dma_wait3A_658, %dma_wait3A_660, %dma_wait3A_661] : memref<8x200x32xf32, #tpu.memory_space<vmem>> -> memref<1x200x32xf32, #tpu.memory_space<vmem>>
          %dma_wait3A_663 = tpu.memref_squeeze %dma_wait3A_662 : memref<1x200x32xf32, #tpu.memory_space<vmem>> -> memref<200x32xf32, #tpu.memory_space<vmem>>
          %dma_wait3A_664 = arith.constant 0 : i32
          %dma_wait3A_665 = arith.constant 0 : i32
          %dma_wait3A_666 = tpu.memref_slice %arg4[%add3A_657, %dma_wait3A_664, %dma_wait3A_665] : memref<4096x200x128xf32, #tpu.memory_space<hbm>> -> memref<1x200x32xf32, #tpu.memory_space<hbm>>
          %dma_wait3A_667 = tpu.memref_squeeze %dma_wait3A_666 : memref<1x200x32xf32, #tpu.memory_space<hbm>> -> memref<200x32xf32, #tpu.memory_space<hbm>>
          %dma_wait3A_668 = tpu.memref_slice %arg8[%dma_wait3A_659] : memref<8x!tpu.dma_semaphore, #tpu.memory_space<semaphore_mem>> -> memref<1x!tpu.dma_semaphore, #tpu.memory_space<semaphore_mem>>
          %dma_wait3A_669 = tpu.memref_squeeze %dma_wait3A_668 : memref<1x!tpu.dma_semaphore, #tpu.memory_space<semaphore_mem>> -> memref<!tpu.dma_semaphore, #tpu.memory_space<semaphore_mem>>
          %dma_wait3A_670 = arith.constant 0 : i32
          %dma_wait3A_671 = arith.constant 0 : i32
          %dma_wait3A_672 = tpu.memref_slice %arg4[%add3A_657, %dma_wait3A_670, %dma_wait3A_671] : memref<4096x200x128xf32, #tpu.memory_space<hbm>> -> memref<1x200x32xf32, #tpu.memory_space<hbm>>
          %dma_wait3A_673 = tpu.memref_squeeze %dma_wait3A_672 : memref<1x200x32xf32, #tpu.memory_space<hbm>> -> memref<200x32xf32, #tpu.memory_space<hbm>>
          %dma_wait3A_674 = arith.constant 0 : i32
          %dma_wait3A_675 = arith.constant 0 : i32
          %dma_wait3A_676 = tpu.memref_slice %arg6[%dma_wait3A_658, %dma_wait3A_674, %dma_wait3A_675] : memref<8x200x32xf32, #tpu.memory_space<vmem>> -> memref<1x200x32xf32, #tpu.memory_space<vmem>>
          %dma_wait3A_677 = tpu.memref_squeeze %dma_wait3A_676 : memref<1x200x32xf32, #tpu.memory_space<vmem>> -> memref<200x32xf32, #tpu.memory_space<vmem>>
          tpu.wait_dma2 semaphore(%dma_wait3A_669 : memref<!tpu.dma_semaphore, #tpu.memory_space<semaphore_mem>>) src(%dma_wait3A_677 : memref<200x32xf32, #tpu.memory_space<vmem>>) dst(%dma_wait3A_673 : memref<200x32xf32, #tpu.memory_space<hbm>>)
        } else {
        }
        %dma_start3A_642 = arith.constant 0 : i32
        %dma_start3A_643 = arith.constant 0 : i32
        %dma_start3A_644 = arith.constant 0 : i32
        %dma_start3A_645 = arith.constant 0 : i32
        %dma_start3A_646 = tpu.memref_slice %arg6[%dma_start3A_642, %dma_start3A_644, %dma_start3A_645] : memref<8x200x32xf32, #tpu.memory_space<vmem>> -> memref<1x200x32xf32, #tpu.memory_space<vmem>>
        %dma_start3A_647 = tpu.memref_squeeze %dma_start3A_646 : memref<1x200x32xf32, #tpu.memory_space<vmem>> -> memref<200x32xf32, #tpu.memory_space<vmem>>
        %dma_start3A_648 = arith.constant 0 : i32
        %dma_start3A_649 = tpu.memref_slice %arg5[%add3A_402, %dma_start3A_648] : memref<128x200xi32, #tpu.memory_space<vmem>> -> memref<1x200xi32, #tpu.memory_space<vmem>>
        %dma_start3A_650 = tpu.memref_squeeze %dma_start3A_649 : memref<1x200xi32, #tpu.memory_space<vmem>> -> memref<200xi32, #tpu.memory_space<vmem>>
        %dma_start3A_651 = arith.constant 0 : i32
        %dma_start3A_652 = arith.constant 0 : i32
        %dma_start3A_653 = tpu.memref_slice %arg3[%dma_start3A_651, %dma_start3A_652] : memref<1000000x32xf32, #tpu.memory_space<hbm>> -> memref<1000000x32xf32, #tpu.memory_space<hbm>>
        %dma_start3A_654 = tpu.memref_slice %arg7[%dma_start3A_643] : memref<8x!tpu.dma_semaphore, #tpu.memory_space<semaphore_mem>> -> memref<1x!tpu.dma_semaphore, #tpu.memory_space<semaphore_mem>>
        %dma_start3A_655 = tpu.memref_squeeze %dma_start3A_654 : memref<1x!tpu.dma_semaphore, #tpu.memory_space<semaphore_mem>> -> memref<!tpu.dma_semaphore, #tpu.memory_space<semaphore_mem>>
        tpu.enqueue_indirect_dma source(%dma_start3A_653 : memref<1000000x32xf32, #tpu.memory_space<hbm>>) target(%dma_start3A_647 : memref<200x32xf32, #tpu.memory_space<vmem>>) offsets(%dma_start3A_650 : memref<200xi32, #tpu.memory_space<vmem>>) semaphore(%dma_start3A_655 : memref<!tpu.dma_semaphore, #tpu.memory_space<semaphore_mem>>)
      } else {
      }
      %mul3A_408 = arith.constant 8 : i32
      %mul3A_409 = arith.muli %scan3A_272, %mul3A_408 : i32
      %add3A_410 = arith.constant 3 : i32
      %add3A_411 = arith.addi %mul3A_409, %add3A_410 : i32
      %dma_wait3A_412 = arith.constant 3 : i32
      %dma_wait3A_413 = arith.constant 3 : i32
      %dma_wait3A_414 = arith.constant 0 : i32
      %dma_wait3A_415 = arith.constant 0 : i32
      %dma_wait3A_416 = tpu.memref_slice %arg6[%dma_wait3A_412, %dma_wait3A_414, %dma_wait3A_415] : memref<8x200x32xf32, #tpu.memory_space<vmem>> -> memref<1x200x32xf32, #tpu.memory_space<vmem>>
      %dma_wait3A_417 = tpu.memref_squeeze %dma_wait3A_416 : memref<1x200x32xf32, #tpu.memory_space<vmem>> -> memref<200x32xf32, #tpu.memory_space<vmem>>
      %dma_wait3A_418 = arith.constant 0 : i32
      %dma_wait3A_419 = tpu.memref_slice %arg5[%add3A_411, %dma_wait3A_418] : memref<128x200xi32, #tpu.memory_space<vmem>> -> memref<1x200xi32, #tpu.memory_space<vmem>>
      %dma_wait3A_420 = tpu.memref_squeeze %dma_wait3A_419 : memref<1x200xi32, #tpu.memory_space<vmem>> -> memref<200xi32, #tpu.memory_space<vmem>>
      %dma_wait3A_421 = arith.constant 0 : i32
      %dma_wait3A_422 = arith.constant 0 : i32
      %dma_wait3A_423 = tpu.memref_slice %arg3[%dma_wait3A_421, %dma_wait3A_422] : memref<1000000x32xf32, #tpu.memory_space<hbm>> -> memref<1000000x32xf32, #tpu.memory_space<hbm>>
      %dma_wait3A_424 = tpu.memref_slice %arg7[%dma_wait3A_413] : memref<8x!tpu.dma_semaphore, #tpu.memory_space<semaphore_mem>> -> memref<1x!tpu.dma_semaphore, #tpu.memory_space<semaphore_mem>>
      %dma_wait3A_425 = tpu.memref_squeeze %dma_wait3A_424 : memref<1x!tpu.dma_semaphore, #tpu.memory_space<semaphore_mem>> -> memref<!tpu.dma_semaphore, #tpu.memory_space<semaphore_mem>>
      tpu.wait_indirect_dma semaphore(%dma_wait3A_425 : memref<!tpu.dma_semaphore, #tpu.memory_space<semaphore_mem>>) src(%dma_wait3A_423 : memref<1000000x32xf32, #tpu.memory_space<hbm>>) dst(%dma_wait3A_417 : memref<200x32xf32, #tpu.memory_space<vmem>>)
      %add3A_426 = arith.addi %mul3A_2, %add3A_411 : i32
      %dma_start3A_427 = arith.constant 3 : i32
      %dma_start3A_428 = arith.constant 3 : i32
      %dma_start3A_429 = arith.constant 0 : i32
      %dma_start3A_430 = arith.constant 0 : i32
      %dma_start3A_431 = tpu.memref_slice %arg6[%dma_start3A_427, %dma_start3A_429, %dma_start3A_430] : memref<8x200x32xf32, #tpu.memory_space<vmem>> -> memref<1x200x32xf32, #tpu.memory_space<vmem>>
      %dma_start3A_432 = tpu.memref_squeeze %dma_start3A_431 : memref<1x200x32xf32, #tpu.memory_space<vmem>> -> memref<200x32xf32, #tpu.memory_space<vmem>>
      %dma_start3A_433 = arith.constant 0 : i32
      %dma_start3A_434 = arith.constant 0 : i32
      %dma_start3A_435 = tpu.memref_slice %arg4[%add3A_426, %dma_start3A_433, %dma_start3A_434] : memref<4096x200x128xf32, #tpu.memory_space<hbm>> -> memref<1x200x32xf32, #tpu.memory_space<hbm>>
      %dma_start3A_436 = tpu.memref_squeeze %dma_start3A_435 : memref<1x200x32xf32, #tpu.memory_space<hbm>> -> memref<200x32xf32, #tpu.memory_space<hbm>>
      %dma_start3A_437 = tpu.memref_slice %arg8[%dma_start3A_428] : memref<8x!tpu.dma_semaphore, #tpu.memory_space<semaphore_mem>> -> memref<1x!tpu.dma_semaphore, #tpu.memory_space<semaphore_mem>>
      %dma_start3A_438 = tpu.memref_squeeze %dma_start3A_437 : memref<1x!tpu.dma_semaphore, #tpu.memory_space<semaphore_mem>> -> memref<!tpu.dma_semaphore, #tpu.memory_space<semaphore_mem>>
      %dma_start3A_439 = arith.constant 0 : i32
      %dma_start3A_440 = arith.constant 0 : i32
      %dma_start3A_441 = tpu.memref_slice %arg4[%add3A_426, %dma_start3A_439, %dma_start3A_440] : memref<4096x200x128xf32, #tpu.memory_space<hbm>> -> memref<1x200x32xf32, #tpu.memory_space<hbm>>
      %dma_start3A_442 = tpu.memref_squeeze %dma_start3A_441 : memref<1x200x32xf32, #tpu.memory_space<hbm>> -> memref<200x32xf32, #tpu.memory_space<hbm>>
      %dma_start3A_443 = arith.constant 0 : i32
      %dma_start3A_444 = arith.constant 0 : i32
      %dma_start3A_445 = tpu.memref_slice %arg6[%dma_start3A_427, %dma_start3A_443, %dma_start3A_444] : memref<8x200x32xf32, #tpu.memory_space<vmem>> -> memref<1x200x32xf32, #tpu.memory_space<vmem>>
      %dma_start3A_446 = tpu.memref_squeeze %dma_start3A_445 : memref<1x200x32xf32, #tpu.memory_space<vmem>> -> memref<200x32xf32, #tpu.memory_space<vmem>>
      tpu.enqueue_dma source(%dma_start3A_446 : memref<200x32xf32, #tpu.memory_space<vmem>>) target(%dma_start3A_442 : memref<200x32xf32, #tpu.memory_space<hbm>>) target_semaphore(%dma_start3A_438 : memref<!tpu.dma_semaphore, #tpu.memory_space<semaphore_mem>>)
      %add3A_447 = arith.constant 6 : i32
      %add3A_448 = arith.addi %add3A_411, %add3A_447 : i32
      %lt3A_449 = arith.constant 128 : i32
      %lt3A_450 = arith.cmpi slt, %add3A_448, %lt3A_449 : i32
      %convert_element_type3A_451 = arith.extui %lt3A_450 : i1 to i32
      %cond3A_452 = arith.constant 0 : i32
      %cond3A_453 = arith.cmpi ne, %convert_element_type3A_451, %cond3A_452 : i32
      scf.if %cond3A_453 {
        %ge3A = arith.constant 8 : i32
        %ge3A_638 = arith.cmpi sge, %add3A_448, %ge3A : i32
        %convert_element_type3A_639 = arith.extui %ge3A_638 : i1 to i32
        %cond3A_640 = arith.constant 0 : i32
        %cond3A_641 = arith.cmpi ne, %convert_element_type3A_639, %cond3A_640 : i32
        scf.if %cond3A_641 {
          %sub3A = arith.constant 8 : i32
          %sub3A_656 = arith.subi %add3A_448, %sub3A : i32
          %add3A_657 = arith.addi %mul3A_2, %sub3A_656 : i32
          %dma_wait3A_658 = arith.constant 1 : i32
          %dma_wait3A_659 = arith.constant 1 : i32
          %dma_wait3A_660 = arith.constant 0 : i32
          %dma_wait3A_661 = arith.constant 0 : i32
          %dma_wait3A_662 = tpu.memref_slice %arg6[%dma_wait3A_658, %dma_wait3A_660, %dma_wait3A_661] : memref<8x200x32xf32, #tpu.memory_space<vmem>> -> memref<1x200x32xf32, #tpu.memory_space<vmem>>
          %dma_wait3A_663 = tpu.memref_squeeze %dma_wait3A_662 : memref<1x200x32xf32, #tpu.memory_space<vmem>> -> memref<200x32xf32, #tpu.memory_space<vmem>>
          %dma_wait3A_664 = arith.constant 0 : i32
          %dma_wait3A_665 = arith.constant 0 : i32
          %dma_wait3A_666 = tpu.memref_slice %arg4[%add3A_657, %dma_wait3A_664, %dma_wait3A_665] : memref<4096x200x128xf32, #tpu.memory_space<hbm>> -> memref<1x200x32xf32, #tpu.memory_space<hbm>>
          %dma_wait3A_667 = tpu.memref_squeeze %dma_wait3A_666 : memref<1x200x32xf32, #tpu.memory_space<hbm>> -> memref<200x32xf32, #tpu.memory_space<hbm>>
          %dma_wait3A_668 = tpu.memref_slice %arg8[%dma_wait3A_659] : memref<8x!tpu.dma_semaphore, #tpu.memory_space<semaphore_mem>> -> memref<1x!tpu.dma_semaphore, #tpu.memory_space<semaphore_mem>>
          %dma_wait3A_669 = tpu.memref_squeeze %dma_wait3A_668 : memref<1x!tpu.dma_semaphore, #tpu.memory_space<semaphore_mem>> -> memref<!tpu.dma_semaphore, #tpu.memory_space<semaphore_mem>>
          %dma_wait3A_670 = arith.constant 0 : i32
          %dma_wait3A_671 = arith.constant 0 : i32
          %dma_wait3A_672 = tpu.memref_slice %arg4[%add3A_657, %dma_wait3A_670, %dma_wait3A_671] : memref<4096x200x128xf32, #tpu.memory_space<hbm>> -> memref<1x200x32xf32, #tpu.memory_space<hbm>>
          %dma_wait3A_673 = tpu.memref_squeeze %dma_wait3A_672 : memref<1x200x32xf32, #tpu.memory_space<hbm>> -> memref<200x32xf32, #tpu.memory_space<hbm>>
          %dma_wait3A_674 = arith.constant 0 : i32
          %dma_wait3A_675 = arith.constant 0 : i32
          %dma_wait3A_676 = tpu.memref_slice %arg6[%dma_wait3A_658, %dma_wait3A_674, %dma_wait3A_675] : memref<8x200x32xf32, #tpu.memory_space<vmem>> -> memref<1x200x32xf32, #tpu.memory_space<vmem>>
          %dma_wait3A_677 = tpu.memref_squeeze %dma_wait3A_676 : memref<1x200x32xf32, #tpu.memory_space<vmem>> -> memref<200x32xf32, #tpu.memory_space<vmem>>
          tpu.wait_dma2 semaphore(%dma_wait3A_669 : memref<!tpu.dma_semaphore, #tpu.memory_space<semaphore_mem>>) src(%dma_wait3A_677 : memref<200x32xf32, #tpu.memory_space<vmem>>) dst(%dma_wait3A_673 : memref<200x32xf32, #tpu.memory_space<hbm>>)
        } else {
        }
        %dma_start3A_642 = arith.constant 1 : i32
        %dma_start3A_643 = arith.constant 1 : i32
        %dma_start3A_644 = arith.constant 0 : i32
        %dma_start3A_645 = arith.constant 0 : i32
        %dma_start3A_646 = tpu.memref_slice %arg6[%dma_start3A_642, %dma_start3A_644, %dma_start3A_645] : memref<8x200x32xf32, #tpu.memory_space<vmem>> -> memref<1x200x32xf32, #tpu.memory_space<vmem>>
        %dma_start3A_647 = tpu.memref_squeeze %dma_start3A_646 : memref<1x200x32xf32, #tpu.memory_space<vmem>> -> memref<200x32xf32, #tpu.memory_space<vmem>>
        %dma_start3A_648 = arith.constant 0 : i32
        %dma_start3A_649 = tpu.memref_slice %arg5[%add3A_448, %dma_start3A_648] : memref<128x200xi32, #tpu.memory_space<vmem>> -> memref<1x200xi32, #tpu.memory_space<vmem>>
        %dma_start3A_650 = tpu.memref_squeeze %dma_start3A_649 : memref<1x200xi32, #tpu.memory_space<vmem>> -> memref<200xi32, #tpu.memory_space<vmem>>
        %dma_start3A_651 = arith.constant 0 : i32
        %dma_start3A_652 = arith.constant 0 : i32
        %dma_start3A_653 = tpu.memref_slice %arg3[%dma_start3A_651, %dma_start3A_652] : memref<1000000x32xf32, #tpu.memory_space<hbm>> -> memref<1000000x32xf32, #tpu.memory_space<hbm>>
        %dma_start3A_654 = tpu.memref_slice %arg7[%dma_start3A_643] : memref<8x!tpu.dma_semaphore, #tpu.memory_space<semaphore_mem>> -> memref<1x!tpu.dma_semaphore, #tpu.memory_space<semaphore_mem>>
        %dma_start3A_655 = tpu.memref_squeeze %dma_start3A_654 : memref<1x!tpu.dma_semaphore, #tpu.memory_space<semaphore_mem>> -> memref<!tpu.dma_semaphore, #tpu.memory_space<semaphore_mem>>
        tpu.enqueue_indirect_dma source(%dma_start3A_653 : memref<1000000x32xf32, #tpu.memory_space<hbm>>) target(%dma_start3A_647 : memref<200x32xf32, #tpu.memory_space<vmem>>) offsets(%dma_start3A_650 : memref<200xi32, #tpu.memory_space<vmem>>) semaphore(%dma_start3A_655 : memref<!tpu.dma_semaphore, #tpu.memory_space<semaphore_mem>>)
      } else {
      }
      %mul3A_454 = arith.constant 8 : i32
      %mul3A_455 = arith.muli %scan3A_272, %mul3A_454 : i32
      %add3A_456 = arith.constant 4 : i32
      %add3A_457 = arith.addi %mul3A_455, %add3A_456 : i32
      %dma_wait3A_458 = arith.constant 4 : i32
      %dma_wait3A_459 = arith.constant 4 : i32
      %dma_wait3A_460 = arith.constant 0 : i32
      %dma_wait3A_461 = arith.constant 0 : i32
      %dma_wait3A_462 = tpu.memref_slice %arg6[%dma_wait3A_458, %dma_wait3A_460, %dma_wait3A_461] : memref<8x200x32xf32, #tpu.memory_space<vmem>> -> memref<1x200x32xf32, #tpu.memory_space<vmem>>
      %dma_wait3A_463 = tpu.memref_squeeze %dma_wait3A_462 : memref<1x200x32xf32, #tpu.memory_space<vmem>> -> memref<200x32xf32, #tpu.memory_space<vmem>>
      %dma_wait3A_464 = arith.constant 0 : i32
      %dma_wait3A_465 = tpu.memref_slice %arg5[%add3A_457, %dma_wait3A_464] : memref<128x200xi32, #tpu.memory_space<vmem>> -> memref<1x200xi32, #tpu.memory_space<vmem>>
      %dma_wait3A_466 = tpu.memref_squeeze %dma_wait3A_465 : memref<1x200xi32, #tpu.memory_space<vmem>> -> memref<200xi32, #tpu.memory_space<vmem>>
      %dma_wait3A_467 = arith.constant 0 : i32
      %dma_wait3A_468 = arith.constant 0 : i32
      %dma_wait3A_469 = tpu.memref_slice %arg3[%dma_wait3A_467, %dma_wait3A_468] : memref<1000000x32xf32, #tpu.memory_space<hbm>> -> memref<1000000x32xf32, #tpu.memory_space<hbm>>
      %dma_wait3A_470 = tpu.memref_slice %arg7[%dma_wait3A_459] : memref<8x!tpu.dma_semaphore, #tpu.memory_space<semaphore_mem>> -> memref<1x!tpu.dma_semaphore, #tpu.memory_space<semaphore_mem>>
      %dma_wait3A_471 = tpu.memref_squeeze %dma_wait3A_470 : memref<1x!tpu.dma_semaphore, #tpu.memory_space<semaphore_mem>> -> memref<!tpu.dma_semaphore, #tpu.memory_space<semaphore_mem>>
      tpu.wait_indirect_dma semaphore(%dma_wait3A_471 : memref<!tpu.dma_semaphore, #tpu.memory_space<semaphore_mem>>) src(%dma_wait3A_469 : memref<1000000x32xf32, #tpu.memory_space<hbm>>) dst(%dma_wait3A_463 : memref<200x32xf32, #tpu.memory_space<vmem>>)
      %add3A_472 = arith.addi %mul3A_2, %add3A_457 : i32
      %dma_start3A_473 = arith.constant 4 : i32
      %dma_start3A_474 = arith.constant 4 : i32
      %dma_start3A_475 = arith.constant 0 : i32
      %dma_start3A_476 = arith.constant 0 : i32
      %dma_start3A_477 = tpu.memref_slice %arg6[%dma_start3A_473, %dma_start3A_475, %dma_start3A_476] : memref<8x200x32xf32, #tpu.memory_space<vmem>> -> memref<1x200x32xf32, #tpu.memory_space<vmem>>
      %dma_start3A_478 = tpu.memref_squeeze %dma_start3A_477 : memref<1x200x32xf32, #tpu.memory_space<vmem>> -> memref<200x32xf32, #tpu.memory_space<vmem>>
      %dma_start3A_479 = arith.constant 0 : i32
      %dma_start3A_480 = arith.constant 0 : i32
      %dma_start3A_481 = tpu.memref_slice %arg4[%add3A_472, %dma_start3A_479, %dma_start3A_480] : memref<4096x200x128xf32, #tpu.memory_space<hbm>> -> memref<1x200x32xf32, #tpu.memory_space<hbm>>
      %dma_start3A_482 = tpu.memref_squeeze %dma_start3A_481 : memref<1x200x32xf32, #tpu.memory_space<hbm>> -> memref<200x32xf32, #tpu.memory_space<hbm>>
      %dma_start3A_483 = tpu.memref_slice %arg8[%dma_start3A_474] : memref<8x!tpu.dma_semaphore, #tpu.memory_space<semaphore_mem>> -> memref<1x!tpu.dma_semaphore, #tpu.memory_space<semaphore_mem>>
      %dma_start3A_484 = tpu.memref_squeeze %dma_start3A_483 : memref<1x!tpu.dma_semaphore, #tpu.memory_space<semaphore_mem>> -> memref<!tpu.dma_semaphore, #tpu.memory_space<semaphore_mem>>
      %dma_start3A_485 = arith.constant 0 : i32
      %dma_start3A_486 = arith.constant 0 : i32
      %dma_start3A_487 = tpu.memref_slice %arg4[%add3A_472, %dma_start3A_485, %dma_start3A_486] : memref<4096x200x128xf32, #tpu.memory_space<hbm>> -> memref<1x200x32xf32, #tpu.memory_space<hbm>>
      %dma_start3A_488 = tpu.memref_squeeze %dma_start3A_487 : memref<1x200x32xf32, #tpu.memory_space<hbm>> -> memref<200x32xf32, #tpu.memory_space<hbm>>
      %dma_start3A_489 = arith.constant 0 : i32
      %dma_start3A_490 = arith.constant 0 : i32
      %dma_start3A_491 = tpu.memref_slice %arg6[%dma_start3A_473, %dma_start3A_489, %dma_start3A_490] : memref<8x200x32xf32, #tpu.memory_space<vmem>> -> memref<1x200x32xf32, #tpu.memory_space<vmem>>
      %dma_start3A_492 = tpu.memref_squeeze %dma_start3A_491 : memref<1x200x32xf32, #tpu.memory_space<vmem>> -> memref<200x32xf32, #tpu.memory_space<vmem>>
      tpu.enqueue_dma source(%dma_start3A_492 : memref<200x32xf32, #tpu.memory_space<vmem>>) target(%dma_start3A_488 : memref<200x32xf32, #tpu.memory_space<hbm>>) target_semaphore(%dma_start3A_484 : memref<!tpu.dma_semaphore, #tpu.memory_space<semaphore_mem>>)
      %add3A_493 = arith.constant 6 : i32
      %add3A_494 = arith.addi %add3A_457, %add3A_493 : i32
      %lt3A_495 = arith.constant 128 : i32
      %lt3A_496 = arith.cmpi slt, %add3A_494, %lt3A_495 : i32
      %convert_element_type3A_497 = arith.extui %lt3A_496 : i1 to i32
      %cond3A_498 = arith.constant 0 : i32
      %cond3A_499 = arith.cmpi ne, %convert_element_type3A_497, %cond3A_498 : i32
      scf.if %cond3A_499 {
        %ge3A = arith.constant 8 : i32
        %ge3A_638 = arith.cmpi sge, %add3A_494, %ge3A : i32
        %convert_element_type3A_639 = arith.extui %ge3A_638 : i1 to i32
        %cond3A_640 = arith.constant 0 : i32
        %cond3A_641 = arith.cmpi ne, %convert_element_type3A_639, %cond3A_640 : i32
        scf.if %cond3A_641 {
          %sub3A = arith.constant 8 : i32
          %sub3A_656 = arith.subi %add3A_494, %sub3A : i32
          %add3A_657 = arith.addi %mul3A_2, %sub3A_656 : i32
          %dma_wait3A_658 = arith.constant 2 : i32
          %dma_wait3A_659 = arith.constant 2 : i32
          %dma_wait3A_660 = arith.constant 0 : i32
          %dma_wait3A_661 = arith.constant 0 : i32
          %dma_wait3A_662 = tpu.memref_slice %arg6[%dma_wait3A_658, %dma_wait3A_660, %dma_wait3A_661] : memref<8x200x32xf32, #tpu.memory_space<vmem>> -> memref<1x200x32xf32, #tpu.memory_space<vmem>>
          %dma_wait3A_663 = tpu.memref_squeeze %dma_wait3A_662 : memref<1x200x32xf32, #tpu.memory_space<vmem>> -> memref<200x32xf32, #tpu.memory_space<vmem>>
          %dma_wait3A_664 = arith.constant 0 : i32
          %dma_wait3A_665 = arith.constant 0 : i32
          %dma_wait3A_666 = tpu.memref_slice %arg4[%add3A_657, %dma_wait3A_664, %dma_wait3A_665] : memref<4096x200x128xf32, #tpu.memory_space<hbm>> -> memref<1x200x32xf32, #tpu.memory_space<hbm>>
          %dma_wait3A_667 = tpu.memref_squeeze %dma_wait3A_666 : memref<1x200x32xf32, #tpu.memory_space<hbm>> -> memref<200x32xf32, #tpu.memory_space<hbm>>
          %dma_wait3A_668 = tpu.memref_slice %arg8[%dma_wait3A_659] : memref<8x!tpu.dma_semaphore, #tpu.memory_space<semaphore_mem>> -> memref<1x!tpu.dma_semaphore, #tpu.memory_space<semaphore_mem>>
          %dma_wait3A_669 = tpu.memref_squeeze %dma_wait3A_668 : memref<1x!tpu.dma_semaphore, #tpu.memory_space<semaphore_mem>> -> memref<!tpu.dma_semaphore, #tpu.memory_space<semaphore_mem>>
          %dma_wait3A_670 = arith.constant 0 : i32
          %dma_wait3A_671 = arith.constant 0 : i32
          %dma_wait3A_672 = tpu.memref_slice %arg4[%add3A_657, %dma_wait3A_670, %dma_wait3A_671] : memref<4096x200x128xf32, #tpu.memory_space<hbm>> -> memref<1x200x32xf32, #tpu.memory_space<hbm>>
          %dma_wait3A_673 = tpu.memref_squeeze %dma_wait3A_672 : memref<1x200x32xf32, #tpu.memory_space<hbm>> -> memref<200x32xf32, #tpu.memory_space<hbm>>
          %dma_wait3A_674 = arith.constant 0 : i32
          %dma_wait3A_675 = arith.constant 0 : i32
          %dma_wait3A_676 = tpu.memref_slice %arg6[%dma_wait3A_658, %dma_wait3A_674, %dma_wait3A_675] : memref<8x200x32xf32, #tpu.memory_space<vmem>> -> memref<1x200x32xf32, #tpu.memory_space<vmem>>
          %dma_wait3A_677 = tpu.memref_squeeze %dma_wait3A_676 : memref<1x200x32xf32, #tpu.memory_space<vmem>> -> memref<200x32xf32, #tpu.memory_space<vmem>>
          tpu.wait_dma2 semaphore(%dma_wait3A_669 : memref<!tpu.dma_semaphore, #tpu.memory_space<semaphore_mem>>) src(%dma_wait3A_677 : memref<200x32xf32, #tpu.memory_space<vmem>>) dst(%dma_wait3A_673 : memref<200x32xf32, #tpu.memory_space<hbm>>)
        } else {
        }
        %dma_start3A_642 = arith.constant 2 : i32
        %dma_start3A_643 = arith.constant 2 : i32
        %dma_start3A_644 = arith.constant 0 : i32
        %dma_start3A_645 = arith.constant 0 : i32
        %dma_start3A_646 = tpu.memref_slice %arg6[%dma_start3A_642, %dma_start3A_644, %dma_start3A_645] : memref<8x200x32xf32, #tpu.memory_space<vmem>> -> memref<1x200x32xf32, #tpu.memory_space<vmem>>
        %dma_start3A_647 = tpu.memref_squeeze %dma_start3A_646 : memref<1x200x32xf32, #tpu.memory_space<vmem>> -> memref<200x32xf32, #tpu.memory_space<vmem>>
        %dma_start3A_648 = arith.constant 0 : i32
        %dma_start3A_649 = tpu.memref_slice %arg5[%add3A_494, %dma_start3A_648] : memref<128x200xi32, #tpu.memory_space<vmem>> -> memref<1x200xi32, #tpu.memory_space<vmem>>
        %dma_start3A_650 = tpu.memref_squeeze %dma_start3A_649 : memref<1x200xi32, #tpu.memory_space<vmem>> -> memref<200xi32, #tpu.memory_space<vmem>>
        %dma_start3A_651 = arith.constant 0 : i32
        %dma_start3A_652 = arith.constant 0 : i32
        %dma_start3A_653 = tpu.memref_slice %arg3[%dma_start3A_651, %dma_start3A_652] : memref<1000000x32xf32, #tpu.memory_space<hbm>> -> memref<1000000x32xf32, #tpu.memory_space<hbm>>
        %dma_start3A_654 = tpu.memref_slice %arg7[%dma_start3A_643] : memref<8x!tpu.dma_semaphore, #tpu.memory_space<semaphore_mem>> -> memref<1x!tpu.dma_semaphore, #tpu.memory_space<semaphore_mem>>
        %dma_start3A_655 = tpu.memref_squeeze %dma_start3A_654 : memref<1x!tpu.dma_semaphore, #tpu.memory_space<semaphore_mem>> -> memref<!tpu.dma_semaphore, #tpu.memory_space<semaphore_mem>>
        tpu.enqueue_indirect_dma source(%dma_start3A_653 : memref<1000000x32xf32, #tpu.memory_space<hbm>>) target(%dma_start3A_647 : memref<200x32xf32, #tpu.memory_space<vmem>>) offsets(%dma_start3A_650 : memref<200xi32, #tpu.memory_space<vmem>>) semaphore(%dma_start3A_655 : memref<!tpu.dma_semaphore, #tpu.memory_space<semaphore_mem>>)
      } else {
      }
      %mul3A_500 = arith.constant 8 : i32
      %mul3A_501 = arith.muli %scan3A_272, %mul3A_500 : i32
      %add3A_502 = arith.constant 5 : i32
      %add3A_503 = arith.addi %mul3A_501, %add3A_502 : i32
      %dma_wait3A_504 = arith.constant 5 : i32
      %dma_wait3A_505 = arith.constant 5 : i32
      %dma_wait3A_506 = arith.constant 0 : i32
      %dma_wait3A_507 = arith.constant 0 : i32
      %dma_wait3A_508 = tpu.memref_slice %arg6[%dma_wait3A_504, %dma_wait3A_506, %dma_wait3A_507] : memref<8x200x32xf32, #tpu.memory_space<vmem>> -> memref<1x200x32xf32, #tpu.memory_space<vmem>>
      %dma_wait3A_509 = tpu.memref_squeeze %dma_wait3A_508 : memref<1x200x32xf32, #tpu.memory_space<vmem>> -> memref<200x32xf32, #tpu.memory_space<vmem>>
      %dma_wait3A_510 = arith.constant 0 : i32
      %dma_wait3A_511 = tpu.memref_slice %arg5[%add3A_503, %dma_wait3A_510] : memref<128x200xi32, #tpu.memory_space<vmem>> -> memref<1x200xi32, #tpu.memory_space<vmem>>
      %dma_wait3A_512 = tpu.memref_squeeze %dma_wait3A_511 : memref<1x200xi32, #tpu.memory_space<vmem>> -> memref<200xi32, #tpu.memory_space<vmem>>
      %dma_wait3A_513 = arith.constant 0 : i32
      %dma_wait3A_514 = arith.constant 0 : i32
      %dma_wait3A_515 = tpu.memref_slice %arg3[%dma_wait3A_513, %dma_wait3A_514] : memref<1000000x32xf32, #tpu.memory_space<hbm>> -> memref<1000000x32xf32, #tpu.memory_space<hbm>>
      %dma_wait3A_516 = tpu.memref_slice %arg7[%dma_wait3A_505] : memref<8x!tpu.dma_semaphore, #tpu.memory_space<semaphore_mem>> -> memref<1x!tpu.dma_semaphore, #tpu.memory_space<semaphore_mem>>
      %dma_wait3A_517 = tpu.memref_squeeze %dma_wait3A_516 : memref<1x!tpu.dma_semaphore, #tpu.memory_space<semaphore_mem>> -> memref<!tpu.dma_semaphore, #tpu.memory_space<semaphore_mem>>
      tpu.wait_indirect_dma semaphore(%dma_wait3A_517 : memref<!tpu.dma_semaphore, #tpu.memory_space<semaphore_mem>>) src(%dma_wait3A_515 : memref<1000000x32xf32, #tpu.memory_space<hbm>>) dst(%dma_wait3A_509 : memref<200x32xf32, #tpu.memory_space<vmem>>)
      %add3A_518 = arith.addi %mul3A_2, %add3A_503 : i32
      %dma_start3A_519 = arith.constant 5 : i32
      %dma_start3A_520 = arith.constant 5 : i32
      %dma_start3A_521 = arith.constant 0 : i32
      %dma_start3A_522 = arith.constant 0 : i32
      %dma_start3A_523 = tpu.memref_slice %arg6[%dma_start3A_519, %dma_start3A_521, %dma_start3A_522] : memref<8x200x32xf32, #tpu.memory_space<vmem>> -> memref<1x200x32xf32, #tpu.memory_space<vmem>>
      %dma_start3A_524 = tpu.memref_squeeze %dma_start3A_523 : memref<1x200x32xf32, #tpu.memory_space<vmem>> -> memref<200x32xf32, #tpu.memory_space<vmem>>
      %dma_start3A_525 = arith.constant 0 : i32
      %dma_start3A_526 = arith.constant 0 : i32
      %dma_start3A_527 = tpu.memref_slice %arg4[%add3A_518, %dma_start3A_525, %dma_start3A_526] : memref<4096x200x128xf32, #tpu.memory_space<hbm>> -> memref<1x200x32xf32, #tpu.memory_space<hbm>>
      %dma_start3A_528 = tpu.memref_squeeze %dma_start3A_527 : memref<1x200x32xf32, #tpu.memory_space<hbm>> -> memref<200x32xf32, #tpu.memory_space<hbm>>
      %dma_start3A_529 = tpu.memref_slice %arg8[%dma_start3A_520] : memref<8x!tpu.dma_semaphore, #tpu.memory_space<semaphore_mem>> -> memref<1x!tpu.dma_semaphore, #tpu.memory_space<semaphore_mem>>
      %dma_start3A_530 = tpu.memref_squeeze %dma_start3A_529 : memref<1x!tpu.dma_semaphore, #tpu.memory_space<semaphore_mem>> -> memref<!tpu.dma_semaphore, #tpu.memory_space<semaphore_mem>>
      %dma_start3A_531 = arith.constant 0 : i32
      %dma_start3A_532 = arith.constant 0 : i32
      %dma_start3A_533 = tpu.memref_slice %arg4[%add3A_518, %dma_start3A_531, %dma_start3A_532] : memref<4096x200x128xf32, #tpu.memory_space<hbm>> -> memref<1x200x32xf32, #tpu.memory_space<hbm>>
      %dma_start3A_534 = tpu.memref_squeeze %dma_start3A_533 : memref<1x200x32xf32, #tpu.memory_space<hbm>> -> memref<200x32xf32, #tpu.memory_space<hbm>>
      %dma_start3A_535 = arith.constant 0 : i32
      %dma_start3A_536 = arith.constant 0 : i32
      %dma_start3A_537 = tpu.memref_slice %arg6[%dma_start3A_519, %dma_start3A_535, %dma_start3A_536] : memref<8x200x32xf32, #tpu.memory_space<vmem>> -> memref<1x200x32xf32, #tpu.memory_space<vmem>>
      %dma_start3A_538 = tpu.memref_squeeze %dma_start3A_537 : memref<1x200x32xf32, #tpu.memory_space<vmem>> -> memref<200x32xf32, #tpu.memory_space<vmem>>
      tpu.enqueue_dma source(%dma_start3A_538 : memref<200x32xf32, #tpu.memory_space<vmem>>) target(%dma_start3A_534 : memref<200x32xf32, #tpu.memory_space<hbm>>) target_semaphore(%dma_start3A_530 : memref<!tpu.dma_semaphore, #tpu.memory_space<semaphore_mem>>)
      %add3A_539 = arith.constant 6 : i32
      %add3A_540 = arith.addi %add3A_503, %add3A_539 : i32
      %lt3A_541 = arith.constant 128 : i32
      %lt3A_542 = arith.cmpi slt, %add3A_540, %lt3A_541 : i32
      %convert_element_type3A_543 = arith.extui %lt3A_542 : i1 to i32
      %cond3A_544 = arith.constant 0 : i32
      %cond3A_545 = arith.cmpi ne, %convert_element_type3A_543, %cond3A_544 : i32
      scf.if %cond3A_545 {
        %ge3A = arith.constant 8 : i32
        %ge3A_638 = arith.cmpi sge, %add3A_540, %ge3A : i32
        %convert_element_type3A_639 = arith.extui %ge3A_638 : i1 to i32
        %cond3A_640 = arith.constant 0 : i32
        %cond3A_641 = arith.cmpi ne, %convert_element_type3A_639, %cond3A_640 : i32
        scf.if %cond3A_641 {
          %sub3A = arith.constant 8 : i32
          %sub3A_656 = arith.subi %add3A_540, %sub3A : i32
          %add3A_657 = arith.addi %mul3A_2, %sub3A_656 : i32
          %dma_wait3A_658 = arith.constant 3 : i32
          %dma_wait3A_659 = arith.constant 3 : i32
          %dma_wait3A_660 = arith.constant 0 : i32
          %dma_wait3A_661 = arith.constant 0 : i32
          %dma_wait3A_662 = tpu.memref_slice %arg6[%dma_wait3A_658, %dma_wait3A_660, %dma_wait3A_661] : memref<8x200x32xf32, #tpu.memory_space<vmem>> -> memref<1x200x32xf32, #tpu.memory_space<vmem>>
          %dma_wait3A_663 = tpu.memref_squeeze %dma_wait3A_662 : memref<1x200x32xf32, #tpu.memory_space<vmem>> -> memref<200x32xf32, #tpu.memory_space<vmem>>
          %dma_wait3A_664 = arith.constant 0 : i32
          %dma_wait3A_665 = arith.constant 0 : i32
          %dma_wait3A_666 = tpu.memref_slice %arg4[%add3A_657, %dma_wait3A_664, %dma_wait3A_665] : memref<4096x200x128xf32, #tpu.memory_space<hbm>> -> memref<1x200x32xf32, #tpu.memory_space<hbm>>
          %dma_wait3A_667 = tpu.memref_squeeze %dma_wait3A_666 : memref<1x200x32xf32, #tpu.memory_space<hbm>> -> memref<200x32xf32, #tpu.memory_space<hbm>>
          %dma_wait3A_668 = tpu.memref_slice %arg8[%dma_wait3A_659] : memref<8x!tpu.dma_semaphore, #tpu.memory_space<semaphore_mem>> -> memref<1x!tpu.dma_semaphore, #tpu.memory_space<semaphore_mem>>
          %dma_wait3A_669 = tpu.memref_squeeze %dma_wait3A_668 : memref<1x!tpu.dma_semaphore, #tpu.memory_space<semaphore_mem>> -> memref<!tpu.dma_semaphore, #tpu.memory_space<semaphore_mem>>
          %dma_wait3A_670 = arith.constant 0 : i32
          %dma_wait3A_671 = arith.constant 0 : i32
          %dma_wait3A_672 = tpu.memref_slice %arg4[%add3A_657, %dma_wait3A_670, %dma_wait3A_671] : memref<4096x200x128xf32, #tpu.memory_space<hbm>> -> memref<1x200x32xf32, #tpu.memory_space<hbm>>
          %dma_wait3A_673 = tpu.memref_squeeze %dma_wait3A_672 : memref<1x200x32xf32, #tpu.memory_space<hbm>> -> memref<200x32xf32, #tpu.memory_space<hbm>>
          %dma_wait3A_674 = arith.constant 0 : i32
          %dma_wait3A_675 = arith.constant 0 : i32
          %dma_wait3A_676 = tpu.memref_slice %arg6[%dma_wait3A_658, %dma_wait3A_674, %dma_wait3A_675] : memref<8x200x32xf32, #tpu.memory_space<vmem>> -> memref<1x200x32xf32, #tpu.memory_space<vmem>>
          %dma_wait3A_677 = tpu.memref_squeeze %dma_wait3A_676 : memref<1x200x32xf32, #tpu.memory_space<vmem>> -> memref<200x32xf32, #tpu.memory_space<vmem>>
          tpu.wait_dma2 semaphore(%dma_wait3A_669 : memref<!tpu.dma_semaphore, #tpu.memory_space<semaphore_mem>>) src(%dma_wait3A_677 : memref<200x32xf32, #tpu.memory_space<vmem>>) dst(%dma_wait3A_673 : memref<200x32xf32, #tpu.memory_space<hbm>>)
        } else {
        }
        %dma_start3A_642 = arith.constant 3 : i32
        %dma_start3A_643 = arith.constant 3 : i32
        %dma_start3A_644 = arith.constant 0 : i32
        %dma_start3A_645 = arith.constant 0 : i32
        %dma_start3A_646 = tpu.memref_slice %arg6[%dma_start3A_642, %dma_start3A_644, %dma_start3A_645] : memref<8x200x32xf32, #tpu.memory_space<vmem>> -> memref<1x200x32xf32, #tpu.memory_space<vmem>>
        %dma_start3A_647 = tpu.memref_squeeze %dma_start3A_646 : memref<1x200x32xf32, #tpu.memory_space<vmem>> -> memref<200x32xf32, #tpu.memory_space<vmem>>
        %dma_start3A_648 = arith.constant 0 : i32
        %dma_start3A_649 = tpu.memref_slice %arg5[%add3A_540, %dma_start3A_648] : memref<128x200xi32, #tpu.memory_space<vmem>> -> memref<1x200xi32, #tpu.memory_space<vmem>>
        %dma_start3A_650 = tpu.memref_squeeze %dma_start3A_649 : memref<1x200xi32, #tpu.memory_space<vmem>> -> memref<200xi32, #tpu.memory_space<vmem>>
        %dma_start3A_651 = arith.constant 0 : i32
        %dma_start3A_652 = arith.constant 0 : i32
        %dma_start3A_653 = tpu.memref_slice %arg3[%dma_start3A_651, %dma_start3A_652] : memref<1000000x32xf32, #tpu.memory_space<hbm>> -> memref<1000000x32xf32, #tpu.memory_space<hbm>>
        %dma_start3A_654 = tpu.memref_slice %arg7[%dma_start3A_643] : memref<8x!tpu.dma_semaphore, #tpu.memory_space<semaphore_mem>> -> memref<1x!tpu.dma_semaphore, #tpu.memory_space<semaphore_mem>>
        %dma_start3A_655 = tpu.memref_squeeze %dma_start3A_654 : memref<1x!tpu.dma_semaphore, #tpu.memory_space<semaphore_mem>> -> memref<!tpu.dma_semaphore, #tpu.memory_space<semaphore_mem>>
        tpu.enqueue_indirect_dma source(%dma_start3A_653 : memref<1000000x32xf32, #tpu.memory_space<hbm>>) target(%dma_start3A_647 : memref<200x32xf32, #tpu.memory_space<vmem>>) offsets(%dma_start3A_650 : memref<200xi32, #tpu.memory_space<vmem>>) semaphore(%dma_start3A_655 : memref<!tpu.dma_semaphore, #tpu.memory_space<semaphore_mem>>)
      } else {
      }
      %mul3A_546 = arith.constant 8 : i32
      %mul3A_547 = arith.muli %scan3A_272, %mul3A_546 : i32
      %add3A_548 = arith.constant 6 : i32
      %add3A_549 = arith.addi %mul3A_547, %add3A_548 : i32
      %dma_wait3A_550 = arith.constant 6 : i32
      %dma_wait3A_551 = arith.constant 6 : i32
      %dma_wait3A_552 = arith.constant 0 : i32
      %dma_wait3A_553 = arith.constant 0 : i32
      %dma_wait3A_554 = tpu.memref_slice %arg6[%dma_wait3A_550, %dma_wait3A_552, %dma_wait3A_553] : memref<8x200x32xf32, #tpu.memory_space<vmem>> -> memref<1x200x32xf32, #tpu.memory_space<vmem>>
      %dma_wait3A_555 = tpu.memref_squeeze %dma_wait3A_554 : memref<1x200x32xf32, #tpu.memory_space<vmem>> -> memref<200x32xf32, #tpu.memory_space<vmem>>
      %dma_wait3A_556 = arith.constant 0 : i32
      %dma_wait3A_557 = tpu.memref_slice %arg5[%add3A_549, %dma_wait3A_556] : memref<128x200xi32, #tpu.memory_space<vmem>> -> memref<1x200xi32, #tpu.memory_space<vmem>>
      %dma_wait3A_558 = tpu.memref_squeeze %dma_wait3A_557 : memref<1x200xi32, #tpu.memory_space<vmem>> -> memref<200xi32, #tpu.memory_space<vmem>>
      %dma_wait3A_559 = arith.constant 0 : i32
      %dma_wait3A_560 = arith.constant 0 : i32
      %dma_wait3A_561 = tpu.memref_slice %arg3[%dma_wait3A_559, %dma_wait3A_560] : memref<1000000x32xf32, #tpu.memory_space<hbm>> -> memref<1000000x32xf32, #tpu.memory_space<hbm>>
      %dma_wait3A_562 = tpu.memref_slice %arg7[%dma_wait3A_551] : memref<8x!tpu.dma_semaphore, #tpu.memory_space<semaphore_mem>> -> memref<1x!tpu.dma_semaphore, #tpu.memory_space<semaphore_mem>>
      %dma_wait3A_563 = tpu.memref_squeeze %dma_wait3A_562 : memref<1x!tpu.dma_semaphore, #tpu.memory_space<semaphore_mem>> -> memref<!tpu.dma_semaphore, #tpu.memory_space<semaphore_mem>>
      tpu.wait_indirect_dma semaphore(%dma_wait3A_563 : memref<!tpu.dma_semaphore, #tpu.memory_space<semaphore_mem>>) src(%dma_wait3A_561 : memref<1000000x32xf32, #tpu.memory_space<hbm>>) dst(%dma_wait3A_555 : memref<200x32xf32, #tpu.memory_space<vmem>>)
      %add3A_564 = arith.addi %mul3A_2, %add3A_549 : i32
      %dma_start3A_565 = arith.constant 6 : i32
      %dma_start3A_566 = arith.constant 6 : i32
      %dma_start3A_567 = arith.constant 0 : i32
      %dma_start3A_568 = arith.constant 0 : i32
      %dma_start3A_569 = tpu.memref_slice %arg6[%dma_start3A_565, %dma_start3A_567, %dma_start3A_568] : memref<8x200x32xf32, #tpu.memory_space<vmem>> -> memref<1x200x32xf32, #tpu.memory_space<vmem>>
      %dma_start3A_570 = tpu.memref_squeeze %dma_start3A_569 : memref<1x200x32xf32, #tpu.memory_space<vmem>> -> memref<200x32xf32, #tpu.memory_space<vmem>>
      %dma_start3A_571 = arith.constant 0 : i32
      %dma_start3A_572 = arith.constant 0 : i32
      %dma_start3A_573 = tpu.memref_slice %arg4[%add3A_564, %dma_start3A_571, %dma_start3A_572] : memref<4096x200x128xf32, #tpu.memory_space<hbm>> -> memref<1x200x32xf32, #tpu.memory_space<hbm>>
      %dma_start3A_574 = tpu.memref_squeeze %dma_start3A_573 : memref<1x200x32xf32, #tpu.memory_space<hbm>> -> memref<200x32xf32, #tpu.memory_space<hbm>>
      %dma_start3A_575 = tpu.memref_slice %arg8[%dma_start3A_566] : memref<8x!tpu.dma_semaphore, #tpu.memory_space<semaphore_mem>> -> memref<1x!tpu.dma_semaphore, #tpu.memory_space<semaphore_mem>>
      %dma_start3A_576 = tpu.memref_squeeze %dma_start3A_575 : memref<1x!tpu.dma_semaphore, #tpu.memory_space<semaphore_mem>> -> memref<!tpu.dma_semaphore, #tpu.memory_space<semaphore_mem>>
      %dma_start3A_577 = arith.constant 0 : i32
      %dma_start3A_578 = arith.constant 0 : i32
      %dma_start3A_579 = tpu.memref_slice %arg4[%add3A_564, %dma_start3A_577, %dma_start3A_578] : memref<4096x200x128xf32, #tpu.memory_space<hbm>> -> memref<1x200x32xf32, #tpu.memory_space<hbm>>
      %dma_start3A_580 = tpu.memref_squeeze %dma_start3A_579 : memref<1x200x32xf32, #tpu.memory_space<hbm>> -> memref<200x32xf32, #tpu.memory_space<hbm>>
      %dma_start3A_581 = arith.constant 0 : i32
      %dma_start3A_582 = arith.constant 0 : i32
      %dma_start3A_583 = tpu.memref_slice %arg6[%dma_start3A_565, %dma_start3A_581, %dma_start3A_582] : memref<8x200x32xf32, #tpu.memory_space<vmem>> -> memref<1x200x32xf32, #tpu.memory_space<vmem>>
      %dma_start3A_584 = tpu.memref_squeeze %dma_start3A_583 : memref<1x200x32xf32, #tpu.memory_space<vmem>> -> memref<200x32xf32, #tpu.memory_space<vmem>>
      tpu.enqueue_dma source(%dma_start3A_584 : memref<200x32xf32, #tpu.memory_space<vmem>>) target(%dma_start3A_580 : memref<200x32xf32, #tpu.memory_space<hbm>>) target_semaphore(%dma_start3A_576 : memref<!tpu.dma_semaphore, #tpu.memory_space<semaphore_mem>>)
      %add3A_585 = arith.constant 6 : i32
      %add3A_586 = arith.addi %add3A_549, %add3A_585 : i32
      %lt3A_587 = arith.constant 128 : i32
      %lt3A_588 = arith.cmpi slt, %add3A_586, %lt3A_587 : i32
      %convert_element_type3A_589 = arith.extui %lt3A_588 : i1 to i32
      %cond3A_590 = arith.constant 0 : i32
      %cond3A_591 = arith.cmpi ne, %convert_element_type3A_589, %cond3A_590 : i32
      scf.if %cond3A_591 {
        %ge3A = arith.constant 8 : i32
        %ge3A_638 = arith.cmpi sge, %add3A_586, %ge3A : i32
        %convert_element_type3A_639 = arith.extui %ge3A_638 : i1 to i32
        %cond3A_640 = arith.constant 0 : i32
        %cond3A_641 = arith.cmpi ne, %convert_element_type3A_639, %cond3A_640 : i32
        scf.if %cond3A_641 {
          %sub3A = arith.constant 8 : i32
          %sub3A_656 = arith.subi %add3A_586, %sub3A : i32
          %add3A_657 = arith.addi %mul3A_2, %sub3A_656 : i32
          %dma_wait3A_658 = arith.constant 4 : i32
          %dma_wait3A_659 = arith.constant 4 : i32
          %dma_wait3A_660 = arith.constant 0 : i32
          %dma_wait3A_661 = arith.constant 0 : i32
          %dma_wait3A_662 = tpu.memref_slice %arg6[%dma_wait3A_658, %dma_wait3A_660, %dma_wait3A_661] : memref<8x200x32xf32, #tpu.memory_space<vmem>> -> memref<1x200x32xf32, #tpu.memory_space<vmem>>
          %dma_wait3A_663 = tpu.memref_squeeze %dma_wait3A_662 : memref<1x200x32xf32, #tpu.memory_space<vmem>> -> memref<200x32xf32, #tpu.memory_space<vmem>>
          %dma_wait3A_664 = arith.constant 0 : i32
          %dma_wait3A_665 = arith.constant 0 : i32
          %dma_wait3A_666 = tpu.memref_slice %arg4[%add3A_657, %dma_wait3A_664, %dma_wait3A_665] : memref<4096x200x128xf32, #tpu.memory_space<hbm>> -> memref<1x200x32xf32, #tpu.memory_space<hbm>>
          %dma_wait3A_667 = tpu.memref_squeeze %dma_wait3A_666 : memref<1x200x32xf32, #tpu.memory_space<hbm>> -> memref<200x32xf32, #tpu.memory_space<hbm>>
          %dma_wait3A_668 = tpu.memref_slice %arg8[%dma_wait3A_659] : memref<8x!tpu.dma_semaphore, #tpu.memory_space<semaphore_mem>> -> memref<1x!tpu.dma_semaphore, #tpu.memory_space<semaphore_mem>>
          %dma_wait3A_669 = tpu.memref_squeeze %dma_wait3A_668 : memref<1x!tpu.dma_semaphore, #tpu.memory_space<semaphore_mem>> -> memref<!tpu.dma_semaphore, #tpu.memory_space<semaphore_mem>>
          %dma_wait3A_670 = arith.constant 0 : i32
          %dma_wait3A_671 = arith.constant 0 : i32
          %dma_wait3A_672 = tpu.memref_slice %arg4[%add3A_657, %dma_wait3A_670, %dma_wait3A_671] : memref<4096x200x128xf32, #tpu.memory_space<hbm>> -> memref<1x200x32xf32, #tpu.memory_space<hbm>>
          %dma_wait3A_673 = tpu.memref_squeeze %dma_wait3A_672 : memref<1x200x32xf32, #tpu.memory_space<hbm>> -> memref<200x32xf32, #tpu.memory_space<hbm>>
          %dma_wait3A_674 = arith.constant 0 : i32
          %dma_wait3A_675 = arith.constant 0 : i32
          %dma_wait3A_676 = tpu.memref_slice %arg6[%dma_wait3A_658, %dma_wait3A_674, %dma_wait3A_675] : memref<8x200x32xf32, #tpu.memory_space<vmem>> -> memref<1x200x32xf32, #tpu.memory_space<vmem>>
          %dma_wait3A_677 = tpu.memref_squeeze %dma_wait3A_676 : memref<1x200x32xf32, #tpu.memory_space<vmem>> -> memref<200x32xf32, #tpu.memory_space<vmem>>
          tpu.wait_dma2 semaphore(%dma_wait3A_669 : memref<!tpu.dma_semaphore, #tpu.memory_space<semaphore_mem>>) src(%dma_wait3A_677 : memref<200x32xf32, #tpu.memory_space<vmem>>) dst(%dma_wait3A_673 : memref<200x32xf32, #tpu.memory_space<hbm>>)
        } else {
        }
        %dma_start3A_642 = arith.constant 4 : i32
        %dma_start3A_643 = arith.constant 4 : i32
        %dma_start3A_644 = arith.constant 0 : i32
        %dma_start3A_645 = arith.constant 0 : i32
        %dma_start3A_646 = tpu.memref_slice %arg6[%dma_start3A_642, %dma_start3A_644, %dma_start3A_645] : memref<8x200x32xf32, #tpu.memory_space<vmem>> -> memref<1x200x32xf32, #tpu.memory_space<vmem>>
        %dma_start3A_647 = tpu.memref_squeeze %dma_start3A_646 : memref<1x200x32xf32, #tpu.memory_space<vmem>> -> memref<200x32xf32, #tpu.memory_space<vmem>>
        %dma_start3A_648 = arith.constant 0 : i32
        %dma_start3A_649 = tpu.memref_slice %arg5[%add3A_586, %dma_start3A_648] : memref<128x200xi32, #tpu.memory_space<vmem>> -> memref<1x200xi32, #tpu.memory_space<vmem>>
        %dma_start3A_650 = tpu.memref_squeeze %dma_start3A_649 : memref<1x200xi32, #tpu.memory_space<vmem>> -> memref<200xi32, #tpu.memory_space<vmem>>
        %dma_start3A_651 = arith.constant 0 : i32
        %dma_start3A_652 = arith.constant 0 : i32
        %dma_start3A_653 = tpu.memref_slice %arg3[%dma_start3A_651, %dma_start3A_652] : memref<1000000x32xf32, #tpu.memory_space<hbm>> -> memref<1000000x32xf32, #tpu.memory_space<hbm>>
        %dma_start3A_654 = tpu.memref_slice %arg7[%dma_start3A_643] : memref<8x!tpu.dma_semaphore, #tpu.memory_space<semaphore_mem>> -> memref<1x!tpu.dma_semaphore, #tpu.memory_space<semaphore_mem>>
        %dma_start3A_655 = tpu.memref_squeeze %dma_start3A_654 : memref<1x!tpu.dma_semaphore, #tpu.memory_space<semaphore_mem>> -> memref<!tpu.dma_semaphore, #tpu.memory_space<semaphore_mem>>
        tpu.enqueue_indirect_dma source(%dma_start3A_653 : memref<1000000x32xf32, #tpu.memory_space<hbm>>) target(%dma_start3A_647 : memref<200x32xf32, #tpu.memory_space<vmem>>) offsets(%dma_start3A_650 : memref<200xi32, #tpu.memory_space<vmem>>) semaphore(%dma_start3A_655 : memref<!tpu.dma_semaphore, #tpu.memory_space<semaphore_mem>>)
      } else {
      }
      %mul3A_592 = arith.constant 8 : i32
      %mul3A_593 = arith.muli %scan3A_272, %mul3A_592 : i32
      %add3A_594 = arith.constant 7 : i32
      %add3A_595 = arith.addi %mul3A_593, %add3A_594 : i32
      %dma_wait3A_596 = arith.constant 7 : i32
      %dma_wait3A_597 = arith.constant 7 : i32
      %dma_wait3A_598 = arith.constant 0 : i32
      %dma_wait3A_599 = arith.constant 0 : i32
      %dma_wait3A_600 = tpu.memref_slice %arg6[%dma_wait3A_596, %dma_wait3A_598, %dma_wait3A_599] : memref<8x200x32xf32, #tpu.memory_space<vmem>> -> memref<1x200x32xf32, #tpu.memory_space<vmem>>
      %dma_wait3A_601 = tpu.memref_squeeze %dma_wait3A_600 : memref<1x200x32xf32, #tpu.memory_space<vmem>> -> memref<200x32xf32, #tpu.memory_space<vmem>>
      %dma_wait3A_602 = arith.constant 0 : i32
      %dma_wait3A_603 = tpu.memref_slice %arg5[%add3A_595, %dma_wait3A_602] : memref<128x200xi32, #tpu.memory_space<vmem>> -> memref<1x200xi32, #tpu.memory_space<vmem>>
      %dma_wait3A_604 = tpu.memref_squeeze %dma_wait3A_603 : memref<1x200xi32, #tpu.memory_space<vmem>> -> memref<200xi32, #tpu.memory_space<vmem>>
      %dma_wait3A_605 = arith.constant 0 : i32
      %dma_wait3A_606 = arith.constant 0 : i32
      %dma_wait3A_607 = tpu.memref_slice %arg3[%dma_wait3A_605, %dma_wait3A_606] : memref<1000000x32xf32, #tpu.memory_space<hbm>> -> memref<1000000x32xf32, #tpu.memory_space<hbm>>
      %dma_wait3A_608 = tpu.memref_slice %arg7[%dma_wait3A_597] : memref<8x!tpu.dma_semaphore, #tpu.memory_space<semaphore_mem>> -> memref<1x!tpu.dma_semaphore, #tpu.memory_space<semaphore_mem>>
      %dma_wait3A_609 = tpu.memref_squeeze %dma_wait3A_608 : memref<1x!tpu.dma_semaphore, #tpu.memory_space<semaphore_mem>> -> memref<!tpu.dma_semaphore, #tpu.memory_space<semaphore_mem>>
      tpu.wait_indirect_dma semaphore(%dma_wait3A_609 : memref<!tpu.dma_semaphore, #tpu.memory_space<semaphore_mem>>) src(%dma_wait3A_607 : memref<1000000x32xf32, #tpu.memory_space<hbm>>) dst(%dma_wait3A_601 : memref<200x32xf32, #tpu.memory_space<vmem>>)
      %add3A_610 = arith.addi %mul3A_2, %add3A_595 : i32
      %dma_start3A_611 = arith.constant 7 : i32
      %dma_start3A_612 = arith.constant 7 : i32
      %dma_start3A_613 = arith.constant 0 : i32
      %dma_start3A_614 = arith.constant 0 : i32
      %dma_start3A_615 = tpu.memref_slice %arg6[%dma_start3A_611, %dma_start3A_613, %dma_start3A_614] : memref<8x200x32xf32, #tpu.memory_space<vmem>> -> memref<1x200x32xf32, #tpu.memory_space<vmem>>
      %dma_start3A_616 = tpu.memref_squeeze %dma_start3A_615 : memref<1x200x32xf32, #tpu.memory_space<vmem>> -> memref<200x32xf32, #tpu.memory_space<vmem>>
      %dma_start3A_617 = arith.constant 0 : i32
      %dma_start3A_618 = arith.constant 0 : i32
      %dma_start3A_619 = tpu.memref_slice %arg4[%add3A_610, %dma_start3A_617, %dma_start3A_618] : memref<4096x200x128xf32, #tpu.memory_space<hbm>> -> memref<1x200x32xf32, #tpu.memory_space<hbm>>
      %dma_start3A_620 = tpu.memref_squeeze %dma_start3A_619 : memref<1x200x32xf32, #tpu.memory_space<hbm>> -> memref<200x32xf32, #tpu.memory_space<hbm>>
      %dma_start3A_621 = tpu.memref_slice %arg8[%dma_start3A_612] : memref<8x!tpu.dma_semaphore, #tpu.memory_space<semaphore_mem>> -> memref<1x!tpu.dma_semaphore, #tpu.memory_space<semaphore_mem>>
      %dma_start3A_622 = tpu.memref_squeeze %dma_start3A_621 : memref<1x!tpu.dma_semaphore, #tpu.memory_space<semaphore_mem>> -> memref<!tpu.dma_semaphore, #tpu.memory_space<semaphore_mem>>
      %dma_start3A_623 = arith.constant 0 : i32
      %dma_start3A_624 = arith.constant 0 : i32
      %dma_start3A_625 = tpu.memref_slice %arg4[%add3A_610, %dma_start3A_623, %dma_start3A_624] : memref<4096x200x128xf32, #tpu.memory_space<hbm>> -> memref<1x200x32xf32, #tpu.memory_space<hbm>>
      %dma_start3A_626 = tpu.memref_squeeze %dma_start3A_625 : memref<1x200x32xf32, #tpu.memory_space<hbm>> -> memref<200x32xf32, #tpu.memory_space<hbm>>
      %dma_start3A_627 = arith.constant 0 : i32
      %dma_start3A_628 = arith.constant 0 : i32
      %dma_start3A_629 = tpu.memref_slice %arg6[%dma_start3A_611, %dma_start3A_627, %dma_start3A_628] : memref<8x200x32xf32, #tpu.memory_space<vmem>> -> memref<1x200x32xf32, #tpu.memory_space<vmem>>
      %dma_start3A_630 = tpu.memref_squeeze %dma_start3A_629 : memref<1x200x32xf32, #tpu.memory_space<vmem>> -> memref<200x32xf32, #tpu.memory_space<vmem>>
      tpu.enqueue_dma source(%dma_start3A_630 : memref<200x32xf32, #tpu.memory_space<vmem>>) target(%dma_start3A_626 : memref<200x32xf32, #tpu.memory_space<hbm>>) target_semaphore(%dma_start3A_622 : memref<!tpu.dma_semaphore, #tpu.memory_space<semaphore_mem>>)
      %add3A_631 = arith.constant 6 : i32
      %add3A_632 = arith.addi %add3A_595, %add3A_631 : i32
      %lt3A_633 = arith.constant 128 : i32
      %lt3A_634 = arith.cmpi slt, %add3A_632, %lt3A_633 : i32
      %convert_element_type3A_635 = arith.extui %lt3A_634 : i1 to i32
      %cond3A_636 = arith.constant 0 : i32
      %cond3A_637 = arith.cmpi ne, %convert_element_type3A_635, %cond3A_636 : i32
      scf.if %cond3A_637 {
        %ge3A = arith.constant 8 : i32
        %ge3A_638 = arith.cmpi sge, %add3A_632, %ge3A : i32
        %convert_element_type3A_639 = arith.extui %ge3A_638 : i1 to i32
        %cond3A_640 = arith.constant 0 : i32
        %cond3A_641 = arith.cmpi ne, %convert_element_type3A_639, %cond3A_640 : i32
        scf.if %cond3A_641 {
          %sub3A = arith.constant 8 : i32
          %sub3A_656 = arith.subi %add3A_632, %sub3A : i32
          %add3A_657 = arith.addi %mul3A_2, %sub3A_656 : i32
          %dma_wait3A_658 = arith.constant 5 : i32
          %dma_wait3A_659 = arith.constant 5 : i32
          %dma_wait3A_660 = arith.constant 0 : i32
          %dma_wait3A_661 = arith.constant 0 : i32
          %dma_wait3A_662 = tpu.memref_slice %arg6[%dma_wait3A_658, %dma_wait3A_660, %dma_wait3A_661] : memref<8x200x32xf32, #tpu.memory_space<vmem>> -> memref<1x200x32xf32, #tpu.memory_space<vmem>>
          %dma_wait3A_663 = tpu.memref_squeeze %dma_wait3A_662 : memref<1x200x32xf32, #tpu.memory_space<vmem>> -> memref<200x32xf32, #tpu.memory_space<vmem>>
          %dma_wait3A_664 = arith.constant 0 : i32
          %dma_wait3A_665 = arith.constant 0 : i32
          %dma_wait3A_666 = tpu.memref_slice %arg4[%add3A_657, %dma_wait3A_664, %dma_wait3A_665] : memref<4096x200x128xf32, #tpu.memory_space<hbm>> -> memref<1x200x32xf32, #tpu.memory_space<hbm>>
          %dma_wait3A_667 = tpu.memref_squeeze %dma_wait3A_666 : memref<1x200x32xf32, #tpu.memory_space<hbm>> -> memref<200x32xf32, #tpu.memory_space<hbm>>
          %dma_wait3A_668 = tpu.memref_slice %arg8[%dma_wait3A_659] : memref<8x!tpu.dma_semaphore, #tpu.memory_space<semaphore_mem>> -> memref<1x!tpu.dma_semaphore, #tpu.memory_space<semaphore_mem>>
          %dma_wait3A_669 = tpu.memref_squeeze %dma_wait3A_668 : memref<1x!tpu.dma_semaphore, #tpu.memory_space<semaphore_mem>> -> memref<!tpu.dma_semaphore, #tpu.memory_space<semaphore_mem>>
          %dma_wait3A_670 = arith.constant 0 : i32
          %dma_wait3A_671 = arith.constant 0 : i32
          %dma_wait3A_672 = tpu.memref_slice %arg4[%add3A_657, %dma_wait3A_670, %dma_wait3A_671] : memref<4096x200x128xf32, #tpu.memory_space<hbm>> -> memref<1x200x32xf32, #tpu.memory_space<hbm>>
          %dma_wait3A_673 = tpu.memref_squeeze %dma_wait3A_672 : memref<1x200x32xf32, #tpu.memory_space<hbm>> -> memref<200x32xf32, #tpu.memory_space<hbm>>
          %dma_wait3A_674 = arith.constant 0 : i32
          %dma_wait3A_675 = arith.constant 0 : i32
          %dma_wait3A_676 = tpu.memref_slice %arg6[%dma_wait3A_658, %dma_wait3A_674, %dma_wait3A_675] : memref<8x200x32xf32, #tpu.memory_space<vmem>> -> memref<1x200x32xf32, #tpu.memory_space<vmem>>
          %dma_wait3A_677 = tpu.memref_squeeze %dma_wait3A_676 : memref<1x200x32xf32, #tpu.memory_space<vmem>> -> memref<200x32xf32, #tpu.memory_space<vmem>>
          tpu.wait_dma2 semaphore(%dma_wait3A_669 : memref<!tpu.dma_semaphore, #tpu.memory_space<semaphore_mem>>) src(%dma_wait3A_677 : memref<200x32xf32, #tpu.memory_space<vmem>>) dst(%dma_wait3A_673 : memref<200x32xf32, #tpu.memory_space<hbm>>)
        } else {
        }
        %dma_start3A_642 = arith.constant 5 : i32
        %dma_start3A_643 = arith.constant 5 : i32
        %dma_start3A_644 = arith.constant 0 : i32
        %dma_start3A_645 = arith.constant 0 : i32
        %dma_start3A_646 = tpu.memref_slice %arg6[%dma_start3A_642, %dma_start3A_644, %dma_start3A_645] : memref<8x200x32xf32, #tpu.memory_space<vmem>> -> memref<1x200x32xf32, #tpu.memory_space<vmem>>
        %dma_start3A_647 = tpu.memref_squeeze %dma_start3A_646 : memref<1x200x32xf32, #tpu.memory_space<vmem>> -> memref<200x32xf32, #tpu.memory_space<vmem>>
        %dma_start3A_648 = arith.constant 0 : i32
        %dma_start3A_649 = tpu.memref_slice %arg5[%add3A_632, %dma_start3A_648] : memref<128x200xi32, #tpu.memory_space<vmem>> -> memref<1x200xi32, #tpu.memory_space<vmem>>
        %dma_start3A_650 = tpu.memref_squeeze %dma_start3A_649 : memref<1x200xi32, #tpu.memory_space<vmem>> -> memref<200xi32, #tpu.memory_space<vmem>>
        %dma_start3A_651 = arith.constant 0 : i32
        %dma_start3A_652 = arith.constant 0 : i32
        %dma_start3A_653 = tpu.memref_slice %arg3[%dma_start3A_651, %dma_start3A_652] : memref<1000000x32xf32, #tpu.memory_space<hbm>> -> memref<1000000x32xf32, #tpu.memory_space<hbm>>
        %dma_start3A_654 = tpu.memref_slice %arg7[%dma_start3A_643] : memref<8x!tpu.dma_semaphore, #tpu.memory_space<semaphore_mem>> -> memref<1x!tpu.dma_semaphore, #tpu.memory_space<semaphore_mem>>
        %dma_start3A_655 = tpu.memref_squeeze %dma_start3A_654 : memref<1x!tpu.dma_semaphore, #tpu.memory_space<semaphore_mem>> -> memref<!tpu.dma_semaphore, #tpu.memory_space<semaphore_mem>>
        tpu.enqueue_indirect_dma source(%dma_start3A_653 : memref<1000000x32xf32, #tpu.memory_space<hbm>>) target(%dma_start3A_647 : memref<200x32xf32, #tpu.memory_space<vmem>>) offsets(%dma_start3A_650 : memref<200xi32, #tpu.memory_space<vmem>>) semaphore(%dma_start3A_655 : memref<!tpu.dma_semaphore, #tpu.memory_space<semaphore_mem>>)
      } else {
      }
    }
    %scan3A_96 = arith.constant 16 : i32
    %add3A_97 = arith.constant 120 : i32
    %add3A_98 = arith.addi %mul3A_2, %add3A_97 : i32
    %dma_wait3A = arith.constant 0 : i32
    %dma_wait3A_99 = arith.constant 0 : i32
    %dma_wait3A_100 = arith.constant 0 : i32
    %dma_wait3A_101 = arith.constant 0 : i32
    %dma_wait3A_102 = tpu.memref_slice %arg6[%dma_wait3A, %dma_wait3A_100, %dma_wait3A_101] : memref<8x200x32xf32, #tpu.memory_space<vmem>> -> memref<1x200x32xf32, #tpu.memory_space<vmem>>
    %dma_wait3A_103 = tpu.memref_squeeze %dma_wait3A_102 : memref<1x200x32xf32, #tpu.memory_space<vmem>> -> memref<200x32xf32, #tpu.memory_space<vmem>>
    %dma_wait3A_104 = arith.constant 0 : i32
    %dma_wait3A_105 = arith.constant 0 : i32
    %dma_wait3A_106 = tpu.memref_slice %arg4[%add3A_98, %dma_wait3A_104, %dma_wait3A_105] : memref<4096x200x128xf32, #tpu.memory_space<hbm>> -> memref<1x200x32xf32, #tpu.memory_space<hbm>>
    %dma_wait3A_107 = tpu.memref_squeeze %dma_wait3A_106 : memref<1x200x32xf32, #tpu.memory_space<hbm>> -> memref<200x32xf32, #tpu.memory_space<hbm>>
    %dma_wait3A_108 = tpu.memref_slice %arg8[%dma_wait3A_99] : memref<8x!tpu.dma_semaphore, #tpu.memory_space<semaphore_mem>> -> memref<1x!tpu.dma_semaphore, #tpu.memory_space<semaphore_mem>>
    %dma_wait3A_109 = tpu.memref_squeeze %dma_wait3A_108 : memref<1x!tpu.dma_semaphore, #tpu.memory_space<semaphore_mem>> -> memref<!tpu.dma_semaphore, #tpu.memory_space<semaphore_mem>>
    %dma_wait3A_110 = arith.constant 0 : i32
    %dma_wait3A_111 = arith.constant 0 : i32
    %dma_wait3A_112 = tpu.memref_slice %arg4[%add3A_98, %dma_wait3A_110, %dma_wait3A_111] : memref<4096x200x128xf32, #tpu.memory_space<hbm>> -> memref<1x200x32xf32, #tpu.memory_space<hbm>>
    %dma_wait3A_113 = tpu.memref_squeeze %dma_wait3A_112 : memref<1x200x32xf32, #tpu.memory_space<hbm>> -> memref<200x32xf32, #tpu.memory_space<hbm>>
    %dma_wait3A_114 = arith.constant 0 : i32
    %dma_wait3A_115 = arith.constant 0 : i32
    %dma_wait3A_116 = tpu.memref_slice %arg6[%dma_wait3A, %dma_wait3A_114, %dma_wait3A_115] : memref<8x200x32xf32, #tpu.memory_space<vmem>> -> memref<1x200x32xf32, #tpu.memory_space<vmem>>
    %dma_wait3A_117 = tpu.memref_squeeze %dma_wait3A_116 : memref<1x200x32xf32, #tpu.memory_space<vmem>> -> memref<200x32xf32, #tpu.memory_space<vmem>>
    tpu.wait_dma2 semaphore(%dma_wait3A_109 : memref<!tpu.dma_semaphore, #tpu.memory_space<semaphore_mem>>) src(%dma_wait3A_117 : memref<200x32xf32, #tpu.memory_space<vmem>>) dst(%dma_wait3A_113 : memref<200x32xf32, #tpu.memory_space<hbm>>)
    %add3A_118 = arith.constant 121 : i32
    %add3A_119 = arith.addi %mul3A_2, %add3A_118 : i32
    %dma_wait3A_120 = arith.constant 1 : i32
    %dma_wait3A_121 = arith.constant 1 : i32
    %dma_wait3A_122 = arith.constant 0 : i32
    %dma_wait3A_123 = arith.constant 0 : i32
    %dma_wait3A_124 = tpu.memref_slice %arg6[%dma_wait3A_120, %dma_wait3A_122, %dma_wait3A_123] : memref<8x200x32xf32, #tpu.memory_space<vmem>> -> memref<1x200x32xf32, #tpu.memory_space<vmem>>
    %dma_wait3A_125 = tpu.memref_squeeze %dma_wait3A_124 : memref<1x200x32xf32, #tpu.memory_space<vmem>> -> memref<200x32xf32, #tpu.memory_space<vmem>>
    %dma_wait3A_126 = arith.constant 0 : i32
    %dma_wait3A_127 = arith.constant 0 : i32
    %dma_wait3A_128 = tpu.memref_slice %arg4[%add3A_119, %dma_wait3A_126, %dma_wait3A_127] : memref<4096x200x128xf32, #tpu.memory_space<hbm>> -> memref<1x200x32xf32, #tpu.memory_space<hbm>>
    %dma_wait3A_129 = tpu.memref_squeeze %dma_wait3A_128 : memref<1x200x32xf32, #tpu.memory_space<hbm>> -> memref<200x32xf32, #tpu.memory_space<hbm>>
    %dma_wait3A_130 = tpu.memref_slice %arg8[%dma_wait3A_121] : memref<8x!tpu.dma_semaphore, #tpu.memory_space<semaphore_mem>> -> memref<1x!tpu.dma_semaphore, #tpu.memory_space<semaphore_mem>>
    %dma_wait3A_131 = tpu.memref_squeeze %dma_wait3A_130 : memref<1x!tpu.dma_semaphore, #tpu.memory_space<semaphore_mem>> -> memref<!tpu.dma_semaphore, #tpu.memory_space<semaphore_mem>>
    %dma_wait3A_132 = arith.constant 0 : i32
    %dma_wait3A_133 = arith.constant 0 : i32
    %dma_wait3A_134 = tpu.memref_slice %arg4[%add3A_119, %dma_wait3A_132, %dma_wait3A_133] : memref<4096x200x128xf32, #tpu.memory_space<hbm>> -> memref<1x200x32xf32, #tpu.memory_space<hbm>>
    %dma_wait3A_135 = tpu.memref_squeeze %dma_wait3A_134 : memref<1x200x32xf32, #tpu.memory_space<hbm>> -> memref<200x32xf32, #tpu.memory_space<hbm>>
    %dma_wait3A_136 = arith.constant 0 : i32
    %dma_wait3A_137 = arith.constant 0 : i32
    %dma_wait3A_138 = tpu.memref_slice %arg6[%dma_wait3A_120, %dma_wait3A_136, %dma_wait3A_137] : memref<8x200x32xf32, #tpu.memory_space<vmem>> -> memref<1x200x32xf32, #tpu.memory_space<vmem>>
    %dma_wait3A_139 = tpu.memref_squeeze %dma_wait3A_138 : memref<1x200x32xf32, #tpu.memory_space<vmem>> -> memref<200x32xf32, #tpu.memory_space<vmem>>
    tpu.wait_dma2 semaphore(%dma_wait3A_131 : memref<!tpu.dma_semaphore, #tpu.memory_space<semaphore_mem>>) src(%dma_wait3A_139 : memref<200x32xf32, #tpu.memory_space<vmem>>) dst(%dma_wait3A_135 : memref<200x32xf32, #tpu.memory_space<hbm>>)
    %add3A_140 = arith.constant 122 : i32
    %add3A_141 = arith.addi %mul3A_2, %add3A_140 : i32
    %dma_wait3A_142 = arith.constant 2 : i32
    %dma_wait3A_143 = arith.constant 2 : i32
    %dma_wait3A_144 = arith.constant 0 : i32
    %dma_wait3A_145 = arith.constant 0 : i32
    %dma_wait3A_146 = tpu.memref_slice %arg6[%dma_wait3A_142, %dma_wait3A_144, %dma_wait3A_145] : memref<8x200x32xf32, #tpu.memory_space<vmem>> -> memref<1x200x32xf32, #tpu.memory_space<vmem>>
    %dma_wait3A_147 = tpu.memref_squeeze %dma_wait3A_146 : memref<1x200x32xf32, #tpu.memory_space<vmem>> -> memref<200x32xf32, #tpu.memory_space<vmem>>
    %dma_wait3A_148 = arith.constant 0 : i32
    %dma_wait3A_149 = arith.constant 0 : i32
    %dma_wait3A_150 = tpu.memref_slice %arg4[%add3A_141, %dma_wait3A_148, %dma_wait3A_149] : memref<4096x200x128xf32, #tpu.memory_space<hbm>> -> memref<1x200x32xf32, #tpu.memory_space<hbm>>
    %dma_wait3A_151 = tpu.memref_squeeze %dma_wait3A_150 : memref<1x200x32xf32, #tpu.memory_space<hbm>> -> memref<200x32xf32, #tpu.memory_space<hbm>>
    %dma_wait3A_152 = tpu.memref_slice %arg8[%dma_wait3A_143] : memref<8x!tpu.dma_semaphore, #tpu.memory_space<semaphore_mem>> -> memref<1x!tpu.dma_semaphore, #tpu.memory_space<semaphore_mem>>
    %dma_wait3A_153 = tpu.memref_squeeze %dma_wait3A_152 : memref<1x!tpu.dma_semaphore, #tpu.memory_space<semaphore_mem>> -> memref<!tpu.dma_semaphore, #tpu.memory_space<semaphore_mem>>
    %dma_wait3A_154 = arith.constant 0 : i32
    %dma_wait3A_155 = arith.constant 0 : i32
    %dma_wait3A_156 = tpu.memref_slice %arg4[%add3A_141, %dma_wait3A_154, %dma_wait3A_155] : memref<4096x200x128xf32, #tpu.memory_space<hbm>> -> memref<1x200x32xf32, #tpu.memory_space<hbm>>
    %dma_wait3A_157 = tpu.memref_squeeze %dma_wait3A_156 : memref<1x200x32xf32, #tpu.memory_space<hbm>> -> memref<200x32xf32, #tpu.memory_space<hbm>>
    %dma_wait3A_158 = arith.constant 0 : i32
    %dma_wait3A_159 = arith.constant 0 : i32
    %dma_wait3A_160 = tpu.memref_slice %arg6[%dma_wait3A_142, %dma_wait3A_158, %dma_wait3A_159] : memref<8x200x32xf32, #tpu.memory_space<vmem>> -> memref<1x200x32xf32, #tpu.memory_space<vmem>>
    %dma_wait3A_161 = tpu.memref_squeeze %dma_wait3A_160 : memref<1x200x32xf32, #tpu.memory_space<vmem>> -> memref<200x32xf32, #tpu.memory_space<vmem>>
    tpu.wait_dma2 semaphore(%dma_wait3A_153 : memref<!tpu.dma_semaphore, #tpu.memory_space<semaphore_mem>>) src(%dma_wait3A_161 : memref<200x32xf32, #tpu.memory_space<vmem>>) dst(%dma_wait3A_157 : memref<200x32xf32, #tpu.memory_space<hbm>>)
    %add3A_162 = arith.constant 123 : i32
    %add3A_163 = arith.addi %mul3A_2, %add3A_162 : i32
    %dma_wait3A_164 = arith.constant 3 : i32
    %dma_wait3A_165 = arith.constant 3 : i32
    %dma_wait3A_166 = arith.constant 0 : i32
    %dma_wait3A_167 = arith.constant 0 : i32
    %dma_wait3A_168 = tpu.memref_slice %arg6[%dma_wait3A_164, %dma_wait3A_166, %dma_wait3A_167] : memref<8x200x32xf32, #tpu.memory_space<vmem>> -> memref<1x200x32xf32, #tpu.memory_space<vmem>>
    %dma_wait3A_169 = tpu.memref_squeeze %dma_wait3A_168 : memref<1x200x32xf32, #tpu.memory_space<vmem>> -> memref<200x32xf32, #tpu.memory_space<vmem>>
    %dma_wait3A_170 = arith.constant 0 : i32
    %dma_wait3A_171 = arith.constant 0 : i32
    %dma_wait3A_172 = tpu.memref_slice %arg4[%add3A_163, %dma_wait3A_170, %dma_wait3A_171] : memref<4096x200x128xf32, #tpu.memory_space<hbm>> -> memref<1x200x32xf32, #tpu.memory_space<hbm>>
    %dma_wait3A_173 = tpu.memref_squeeze %dma_wait3A_172 : memref<1x200x32xf32, #tpu.memory_space<hbm>> -> memref<200x32xf32, #tpu.memory_space<hbm>>
    %dma_wait3A_174 = tpu.memref_slice %arg8[%dma_wait3A_165] : memref<8x!tpu.dma_semaphore, #tpu.memory_space<semaphore_mem>> -> memref<1x!tpu.dma_semaphore, #tpu.memory_space<semaphore_mem>>
    %dma_wait3A_175 = tpu.memref_squeeze %dma_wait3A_174 : memref<1x!tpu.dma_semaphore, #tpu.memory_space<semaphore_mem>> -> memref<!tpu.dma_semaphore, #tpu.memory_space<semaphore_mem>>
    %dma_wait3A_176 = arith.constant 0 : i32
    %dma_wait3A_177 = arith.constant 0 : i32
    %dma_wait3A_178 = tpu.memref_slice %arg4[%add3A_163, %dma_wait3A_176, %dma_wait3A_177] : memref<4096x200x128xf32, #tpu.memory_space<hbm>> -> memref<1x200x32xf32, #tpu.memory_space<hbm>>
    %dma_wait3A_179 = tpu.memref_squeeze %dma_wait3A_178 : memref<1x200x32xf32, #tpu.memory_space<hbm>> -> memref<200x32xf32, #tpu.memory_space<hbm>>
    %dma_wait3A_180 = arith.constant 0 : i32
    %dma_wait3A_181 = arith.constant 0 : i32
    %dma_wait3A_182 = tpu.memref_slice %arg6[%dma_wait3A_164, %dma_wait3A_180, %dma_wait3A_181] : memref<8x200x32xf32, #tpu.memory_space<vmem>> -> memref<1x200x32xf32, #tpu.memory_space<vmem>>
    %dma_wait3A_183 = tpu.memref_squeeze %dma_wait3A_182 : memref<1x200x32xf32, #tpu.memory_space<vmem>> -> memref<200x32xf32, #tpu.memory_space<vmem>>
    tpu.wait_dma2 semaphore(%dma_wait3A_175 : memref<!tpu.dma_semaphore, #tpu.memory_space<semaphore_mem>>) src(%dma_wait3A_183 : memref<200x32xf32, #tpu.memory_space<vmem>>) dst(%dma_wait3A_179 : memref<200x32xf32, #tpu.memory_space<hbm>>)
    %add3A_184 = arith.constant 124 : i32
    %add3A_185 = arith.addi %mul3A_2, %add3A_184 : i32
    %dma_wait3A_186 = arith.constant 4 : i32
    %dma_wait3A_187 = arith.constant 4 : i32
    %dma_wait3A_188 = arith.constant 0 : i32
    %dma_wait3A_189 = arith.constant 0 : i32
    %dma_wait3A_190 = tpu.memref_slice %arg6[%dma_wait3A_186, %dma_wait3A_188, %dma_wait3A_189] : memref<8x200x32xf32, #tpu.memory_space<vmem>> -> memref<1x200x32xf32, #tpu.memory_space<vmem>>
    %dma_wait3A_191 = tpu.memref_squeeze %dma_wait3A_190 : memref<1x200x32xf32, #tpu.memory_space<vmem>> -> memref<200x32xf32, #tpu.memory_space<vmem>>
    %dma_wait3A_192 = arith.constant 0 : i32
    %dma_wait3A_193 = arith.constant 0 : i32
    %dma_wait3A_194 = tpu.memref_slice %arg4[%add3A_185, %dma_wait3A_192, %dma_wait3A_193] : memref<4096x200x128xf32, #tpu.memory_space<hbm>> -> memref<1x200x32xf32, #tpu.memory_space<hbm>>
    %dma_wait3A_195 = tpu.memref_squeeze %dma_wait3A_194 : memref<1x200x32xf32, #tpu.memory_space<hbm>> -> memref<200x32xf32, #tpu.memory_space<hbm>>
    %dma_wait3A_196 = tpu.memref_slice %arg8[%dma_wait3A_187] : memref<8x!tpu.dma_semaphore, #tpu.memory_space<semaphore_mem>> -> memref<1x!tpu.dma_semaphore, #tpu.memory_space<semaphore_mem>>
    %dma_wait3A_197 = tpu.memref_squeeze %dma_wait3A_196 : memref<1x!tpu.dma_semaphore, #tpu.memory_space<semaphore_mem>> -> memref<!tpu.dma_semaphore, #tpu.memory_space<semaphore_mem>>
    %dma_wait3A_198 = arith.constant 0 : i32
    %dma_wait3A_199 = arith.constant 0 : i32
    %dma_wait3A_200 = tpu.memref_slice %arg4[%add3A_185, %dma_wait3A_198, %dma_wait3A_199] : memref<4096x200x128xf32, #tpu.memory_space<hbm>> -> memref<1x200x32xf32, #tpu.memory_space<hbm>>
    %dma_wait3A_201 = tpu.memref_squeeze %dma_wait3A_200 : memref<1x200x32xf32, #tpu.memory_space<hbm>> -> memref<200x32xf32, #tpu.memory_space<hbm>>
    %dma_wait3A_202 = arith.constant 0 : i32
    %dma_wait3A_203 = arith.constant 0 : i32
    %dma_wait3A_204 = tpu.memref_slice %arg6[%dma_wait3A_186, %dma_wait3A_202, %dma_wait3A_203] : memref<8x200x32xf32, #tpu.memory_space<vmem>> -> memref<1x200x32xf32, #tpu.memory_space<vmem>>
    %dma_wait3A_205 = tpu.memref_squeeze %dma_wait3A_204 : memref<1x200x32xf32, #tpu.memory_space<vmem>> -> memref<200x32xf32, #tpu.memory_space<vmem>>
    tpu.wait_dma2 semaphore(%dma_wait3A_197 : memref<!tpu.dma_semaphore, #tpu.memory_space<semaphore_mem>>) src(%dma_wait3A_205 : memref<200x32xf32, #tpu.memory_space<vmem>>) dst(%dma_wait3A_201 : memref<200x32xf32, #tpu.memory_space<hbm>>)
    %add3A_206 = arith.constant 125 : i32
    %add3A_207 = arith.addi %mul3A_2, %add3A_206 : i32
    %dma_wait3A_208 = arith.constant 5 : i32
    %dma_wait3A_209 = arith.constant 5 : i32
    %dma_wait3A_210 = arith.constant 0 : i32
    %dma_wait3A_211 = arith.constant 0 : i32
    %dma_wait3A_212 = tpu.memref_slice %arg6[%dma_wait3A_208, %dma_wait3A_210, %dma_wait3A_211] : memref<8x200x32xf32, #tpu.memory_space<vmem>> -> memref<1x200x32xf32, #tpu.memory_space<vmem>>
    %dma_wait3A_213 = tpu.memref_squeeze %dma_wait3A_212 : memref<1x200x32xf32, #tpu.memory_space<vmem>> -> memref<200x32xf32, #tpu.memory_space<vmem>>
    %dma_wait3A_214 = arith.constant 0 : i32
    %dma_wait3A_215 = arith.constant 0 : i32
    %dma_wait3A_216 = tpu.memref_slice %arg4[%add3A_207, %dma_wait3A_214, %dma_wait3A_215] : memref<4096x200x128xf32, #tpu.memory_space<hbm>> -> memref<1x200x32xf32, #tpu.memory_space<hbm>>
    %dma_wait3A_217 = tpu.memref_squeeze %dma_wait3A_216 : memref<1x200x32xf32, #tpu.memory_space<hbm>> -> memref<200x32xf32, #tpu.memory_space<hbm>>
    %dma_wait3A_218 = tpu.memref_slice %arg8[%dma_wait3A_209] : memref<8x!tpu.dma_semaphore, #tpu.memory_space<semaphore_mem>> -> memref<1x!tpu.dma_semaphore, #tpu.memory_space<semaphore_mem>>
    %dma_wait3A_219 = tpu.memref_squeeze %dma_wait3A_218 : memref<1x!tpu.dma_semaphore, #tpu.memory_space<semaphore_mem>> -> memref<!tpu.dma_semaphore, #tpu.memory_space<semaphore_mem>>
    %dma_wait3A_220 = arith.constant 0 : i32
    %dma_wait3A_221 = arith.constant 0 : i32
    %dma_wait3A_222 = tpu.memref_slice %arg4[%add3A_207, %dma_wait3A_220, %dma_wait3A_221] : memref<4096x200x128xf32, #tpu.memory_space<hbm>> -> memref<1x200x32xf32, #tpu.memory_space<hbm>>
    %dma_wait3A_223 = tpu.memref_squeeze %dma_wait3A_222 : memref<1x200x32xf32, #tpu.memory_space<hbm>> -> memref<200x32xf32, #tpu.memory_space<hbm>>
    %dma_wait3A_224 = arith.constant 0 : i32
    %dma_wait3A_225 = arith.constant 0 : i32
    %dma_wait3A_226 = tpu.memref_slice %arg6[%dma_wait3A_208, %dma_wait3A_224, %dma_wait3A_225] : memref<8x200x32xf32, #tpu.memory_space<vmem>> -> memref<1x200x32xf32, #tpu.memory_space<vmem>>
    %dma_wait3A_227 = tpu.memref_squeeze %dma_wait3A_226 : memref<1x200x32xf32, #tpu.memory_space<vmem>> -> memref<200x32xf32, #tpu.memory_space<vmem>>
    tpu.wait_dma2 semaphore(%dma_wait3A_219 : memref<!tpu.dma_semaphore, #tpu.memory_space<semaphore_mem>>) src(%dma_wait3A_227 : memref<200x32xf32, #tpu.memory_space<vmem>>) dst(%dma_wait3A_223 : memref<200x32xf32, #tpu.memory_space<hbm>>)
    %add3A_228 = arith.constant 126 : i32
    %add3A_229 = arith.addi %mul3A_2, %add3A_228 : i32
    %dma_wait3A_230 = arith.constant 6 : i32
    %dma_wait3A_231 = arith.constant 6 : i32
    %dma_wait3A_232 = arith.constant 0 : i32
    %dma_wait3A_233 = arith.constant 0 : i32
    %dma_wait3A_234 = tpu.memref_slice %arg6[%dma_wait3A_230, %dma_wait3A_232, %dma_wait3A_233] : memref<8x200x32xf32, #tpu.memory_space<vmem>> -> memref<1x200x32xf32, #tpu.memory_space<vmem>>
    %dma_wait3A_235 = tpu.memref_squeeze %dma_wait3A_234 : memref<1x200x32xf32, #tpu.memory_space<vmem>> -> memref<200x32xf32, #tpu.memory_space<vmem>>
    %dma_wait3A_236 = arith.constant 0 : i32
    %dma_wait3A_237 = arith.constant 0 : i32
    %dma_wait3A_238 = tpu.memref_slice %arg4[%add3A_229, %dma_wait3A_236, %dma_wait3A_237] : memref<4096x200x128xf32, #tpu.memory_space<hbm>> -> memref<1x200x32xf32, #tpu.memory_space<hbm>>
    %dma_wait3A_239 = tpu.memref_squeeze %dma_wait3A_238 : memref<1x200x32xf32, #tpu.memory_space<hbm>> -> memref<200x32xf32, #tpu.memory_space<hbm>>
    %dma_wait3A_240 = tpu.memref_slice %arg8[%dma_wait3A_231] : memref<8x!tpu.dma_semaphore, #tpu.memory_space<semaphore_mem>> -> memref<1x!tpu.dma_semaphore, #tpu.memory_space<semaphore_mem>>
    %dma_wait3A_241 = tpu.memref_squeeze %dma_wait3A_240 : memref<1x!tpu.dma_semaphore, #tpu.memory_space<semaphore_mem>> -> memref<!tpu.dma_semaphore, #tpu.memory_space<semaphore_mem>>
    %dma_wait3A_242 = arith.constant 0 : i32
    %dma_wait3A_243 = arith.constant 0 : i32
    %dma_wait3A_244 = tpu.memref_slice %arg4[%add3A_229, %dma_wait3A_242, %dma_wait3A_243] : memref<4096x200x128xf32, #tpu.memory_space<hbm>> -> memref<1x200x32xf32, #tpu.memory_space<hbm>>
    %dma_wait3A_245 = tpu.memref_squeeze %dma_wait3A_244 : memref<1x200x32xf32, #tpu.memory_space<hbm>> -> memref<200x32xf32, #tpu.memory_space<hbm>>
    %dma_wait3A_246 = arith.constant 0 : i32
    %dma_wait3A_247 = arith.constant 0 : i32
    %dma_wait3A_248 = tpu.memref_slice %arg6[%dma_wait3A_230, %dma_wait3A_246, %dma_wait3A_247] : memref<8x200x32xf32, #tpu.memory_space<vmem>> -> memref<1x200x32xf32, #tpu.memory_space<vmem>>
    %dma_wait3A_249 = tpu.memref_squeeze %dma_wait3A_248 : memref<1x200x32xf32, #tpu.memory_space<vmem>> -> memref<200x32xf32, #tpu.memory_space<vmem>>
    tpu.wait_dma2 semaphore(%dma_wait3A_241 : memref<!tpu.dma_semaphore, #tpu.memory_space<semaphore_mem>>) src(%dma_wait3A_249 : memref<200x32xf32, #tpu.memory_space<vmem>>) dst(%dma_wait3A_245 : memref<200x32xf32, #tpu.memory_space<hbm>>)
    %add3A_250 = arith.constant 127 : i32
    %add3A_251 = arith.addi %mul3A_2, %add3A_250 : i32
    %dma_wait3A_252 = arith.constant 7 : i32
    %dma_wait3A_253 = arith.constant 7 : i32
    %dma_wait3A_254 = arith.constant 0 : i32
    %dma_wait3A_255 = arith.constant 0 : i32
    %dma_wait3A_256 = tpu.memref_slice %arg6[%dma_wait3A_252, %dma_wait3A_254, %dma_wait3A_255] : memref<8x200x32xf32, #tpu.memory_space<vmem>> -> memref<1x200x32xf32, #tpu.memory_space<vmem>>
    %dma_wait3A_257 = tpu.memref_squeeze %dma_wait3A_256 : memref<1x200x32xf32, #tpu.memory_space<vmem>> -> memref<200x32xf32, #tpu.memory_space<vmem>>
    %dma_wait3A_258 = arith.constant 0 : i32
    %dma_wait3A_259 = arith.constant 0 : i32
    %dma_wait3A_260 = tpu.memref_slice %arg4[%add3A_251, %dma_wait3A_258, %dma_wait3A_259] : memref<4096x200x128xf32, #tpu.memory_space<hbm>> -> memref<1x200x32xf32, #tpu.memory_space<hbm>>
    %dma_wait3A_261 = tpu.memref_squeeze %dma_wait3A_260 : memref<1x200x32xf32, #tpu.memory_space<hbm>> -> memref<200x32xf32, #tpu.memory_space<hbm>>
    %dma_wait3A_262 = tpu.memref_slice %arg8[%dma_wait3A_253] : memref<8x!tpu.dma_semaphore, #tpu.memory_space<semaphore_mem>> -> memref<1x!tpu.dma_semaphore, #tpu.memory_space<semaphore_mem>>
    %dma_wait3A_263 = tpu.memref_squeeze %dma_wait3A_262 : memref<1x!tpu.dma_semaphore, #tpu.memory_space<semaphore_mem>> -> memref<!tpu.dma_semaphore, #tpu.memory_space<semaphore_mem>>
    %dma_wait3A_264 = arith.constant 0 : i32
    %dma_wait3A_265 = arith.constant 0 : i32
    %dma_wait3A_266 = tpu.memref_slice %arg4[%add3A_251, %dma_wait3A_264, %dma_wait3A_265] : memref<4096x200x128xf32, #tpu.memory_space<hbm>> -> memref<1x200x32xf32, #tpu.memory_space<hbm>>
    %dma_wait3A_267 = tpu.memref_squeeze %dma_wait3A_266 : memref<1x200x32xf32, #tpu.memory_space<hbm>> -> memref<200x32xf32, #tpu.memory_space<hbm>>
    %dma_wait3A_268 = arith.constant 0 : i32
    %dma_wait3A_269 = arith.constant 0 : i32
    %dma_wait3A_270 = tpu.memref_slice %arg6[%dma_wait3A_252, %dma_wait3A_268, %dma_wait3A_269] : memref<8x200x32xf32, #tpu.memory_space<vmem>> -> memref<1x200x32xf32, #tpu.memory_space<vmem>>
    %dma_wait3A_271 = tpu.memref_squeeze %dma_wait3A_270 : memref<1x200x32xf32, #tpu.memory_space<vmem>> -> memref<200x32xf32, #tpu.memory_space<vmem>>
    tpu.wait_dma2 semaphore(%dma_wait3A_263 : memref<!tpu.dma_semaphore, #tpu.memory_space<semaphore_mem>>) src(%dma_wait3A_271 : memref<200x32xf32, #tpu.memory_space<vmem>>) dst(%dma_wait3A_267 : memref<200x32xf32, #tpu.memory_space<hbm>>)
    return
  }
}

</mosaic_0001>

<sc_bundles>
// kernel: kernel.3.cloned.1.call-start
scs
__scs_entry_jumppad:
0x0: {  	(pc) =	sbr.rel $0x88, $3  }
0x1: {  	(tag) =	ssettag $0x0;
	lr =	simm.s32 $0x1  }
0x2: {  	[smem:$0x3F9F] =	sst lr;
	_ =	strace $0xD0000000  }
0x3: {  	_ = 	snop  }
0x4: {  	_ = 	snop  }
0x5: {  	_ = 	snop  }
0x6: {  	_ = 	snop  }
0x7: {  	_ = 	snop  }
__scs_overlays_trampoline_lowered:
0x8: {  	[smem:$0x3FAE] =	sst s0  }
0x9: {  	[smem:$0x3FAF] =	sst s1  }
0xa: {  	[smem:$0x3FB0] =	sst s2  }
0xb: {  	[smem:$0x3FB1] =	sst s3  }
0xc: {  	[smem:$0x3FB2] =	sst s4  }
0xd: {  	[smem:$0x3FB3] =	sst s5  }
0xe: {  	[smem:$0x3FB4] =	sst s6  }
0xf: {  	[smem:$0x3FB5] =	sst s7  }
0x10: {  	[smem:$0x3FB6] =	sst s8  }
0x11: {  	[smem:$0x3FB7] =	sst s9;
	s0 =	simm.s32 @!p0 $0x0  }
0x12: {  	s1 =	sld [smem:$0x3F9D];
	s0 =	simm.s32 @p0 $0x1  }
0x13: {  	[smem:$0x3FB8] =	sst s0;
	s0 =	simm.s32 @!p1 $0x0  }
0x14: {  	s2 =	sld [smem:$0x3F9C];
	s0 =	simm.s32 @p1 $0x1  }
0x15: {  	[smem:$0x3FB9] =	sst s0;
	s0 =	simm.s32 @!p2 $0x0  }
0x16: {  	s3 =	sld [smem:$0x3FDB];
	s0 =	simm.s32 @p2 $0x1  }
0x17: {  	s4 =	simm.s32 $0x1BF5;
	[smem:$0x3FBB] =	sst s0  }
0x18: {  	s0 =	sld [smem:$0x3F9E];
	_ =	swait.ge [sflag:s4], $0x0  }
0x19: {  	s7 =	sld [smem:$0x3F9F]  }
0x1a: {  	s8 =	sadd.s32 $0xFFFFE003, lr  }
0x1b: {  	s9 =	sadd.s32 $0xFFFFFEF7, lr;
	s5 =	simm.s32 $0xFFFFFFFF;
	p2 =	slt.u32 s8, $0xFFFFF086  }
0x1c: {  	p1 =	slt.u32 s9, $0xF7A;
	s5 =	simm.s32 @!p2 $0x0  }
0x1d: {  	s5 =	simm.s32 @p1 $0x1;
	p0 =	seq.s32 s7, s2  }
0x1e: {  	s7 =	smul.u32 @!p0 $0xF7A, s2;
	p2 =	seq.s32 @!p0 s5, $0x0  }
0x1f: {  	s9 =	smul.u32 $0xF7A, s1;
	s8 =	simm.s32 @!p0 $0x1BF5;
	p2 =	por !p2, p0  }
0x20: {  	[sflag:s8] =	ssyncset.s32 @!p0 $0xFFFFF086;
	s6 =	sadd.s32 @!p0 s3, s7;
	s7 =	simm.s32 @!p0 $0x108  }
0x21: {  	s3 =	sadd.s32 s3, s9;
	s6 =	sadd.s32 @!p0 $0x88, s6;
	s7 =	simm.s32 @p2 $0x1082  }
0x22: {  	[simem:s7], [sflag:s8] =	dma.local @!p0 [hbm:s6], $0xF7A  }
0x23: {  	s9 =	sor.u32 $0xD0000000, s2;
	s6 =	simm.s32 $0x108;
	_ =	swait.ge @!p0 [sflag:s8], $0x0  }
0x24: {  	s3 =	sadd.s32 $0x88, s3;
	s6 =	simm.s32 @!p1 $0x1082;
	[sflag:s4] =	ssyncset.s32 $0xFFFFF086  }
0x25: {  	[simem:s6], [sflag:s4] =	dma.local [hbm:s3], $0xF7A  }
0x26: {  	[smem:$0x3F9F] =	sst s1;
	(tag) =	ssettag s2;
	_ =	strace s9  }
0x27: {  	s1 =	sld [smem:$0x3FAF]  }
0x28: {  	s2 =	sld [smem:$0x3FB0]  }
0x29: {  	s4 =	sld [smem:$0x3FB2]  }
0x2a: {  	p0 =	seq.s32 s5, $0x0;
	s5 =	sld [smem:$0x3FB3]  }
0x2b: {  	s6 =	sld [smem:$0x3FB4]  }
0x2c: {  	s7 =	sld [smem:$0x3FB5]  }
0x2d: {  	s3 =	simm.s32 $0x108;
	s8 =	sld [smem:$0x3FB6]  }
0x2e: {  	s3 =	simm.s32 @!p0 $0x1082;
	s9 =	sld [smem:$0x3FB7]  }
0x2f: {  	lr =	sadd.s32 s0, s3;
	s0 =	sld [smem:$0x3FAE]  }
0x30: {  	s3 =	sld [smem:$0x3FB1]  }
0x31: {  	[smem:$0x3FBA] =	sst s10  }
0x32: {  	s10 =	sld [smem:$0x3FB8];
	_ =	sdelay $0x3  }
0x33: {  	p0 =	seq.s32 s10, $0x1;
	s10 =	sld [smem:$0x3FBA];
	_ =	sdelay $0x3  }
0x34: {  	[smem:$0x3FBA] =	sst s10  }
0x35: {  	s10 =	sld [smem:$0x3FB9];
	_ =	sdelay $0x3  }
0x36: {  	p1 =	seq.s32 s10, $0x1;
	s10 =	sld [smem:$0x3FBA];
	_ =	sdelay $0x3  }
0x37: {  	[smem:$0x3FBA] =	sst s10  }
0x38: {  	s10 =	sld [smem:$0x3FBB]  }
0x39: {  	_ = 	snop;
	(pc) =	sbr.ind lr, $3  }
0x3a: {  	_ = 	snop  }
0x3b: {  	_ = 	snop  }
0x3c: {  	p2 =	seq.s32 s10, $0x1;
	s10 =	sld [smem:$0x3FBA]  }
0x3d: {  	_ =	shalt  }
0x3e: {  	_ =	shalt  }
0x3f: {  	_ =	shalt  }
0x40: {  	_ =	shalt  }
0x41: {  	_ =	shalt  }
0x42: {  	_ =	shalt  }
0x43: {  	_ =	shalt  }
0x44: {  	_ =	shalt  }
0x45: {  	_ =	shalt  }
0x46: {  	_ =	shalt  }
0x47: {  	_ =	shalt  }
0x48: {  	_ =	shalt  }
0x49: {  	_ =	shalt  }
0x4a: {  	_ =	shalt  }
0x4b: {  	_ =	shalt  }
0x4c: {  	_ =	shalt  }
0x4d: {  	_ =	shalt  }
0x4e: {  	_ =	shalt  }
0x4f: {  	_ =	shalt  }
0x50: {  	_ =	shalt  }
0x51: {  	_ =	shalt  }
0x52: {  	_ =	shalt  }
0x53: {  	_ =	shalt  }
0x54: {  	_ =	shalt  }
0x55: {  	_ =	shalt  }
0x56: {  	_ =	shalt  }
0x57: {  	_ =	shalt  }
0x58: {  	_ =	shalt  }
0x59: {  	_ =	shalt  }
0x5a: {  	_ =	shalt  }
0x5b: {  	_ =	shalt  }
0x5c: {  	_ =	shalt  }
0x5d: {  	_ =	shalt  }
0x5e: {  	_ =	shalt  }
0x5f: {  	_ =	shalt  }
0x60: {  	_ =	shalt  }
0x61: {  	_ =	shalt  }
0x62: {  	_ =	shalt  }
0x63: {  	_ =	shalt  }
0x64: {  	_ =	shalt  }
0x65: {  	_ =	shalt  }
0x66: {  	_ =	shalt  }
0x67: {  	_ =	shalt  }
0x68: {  	_ =	shalt  }
0x69: {  	_ =	shalt  }
0x6a: {  	_ =	shalt  }
0x6b: {  	_ =	shalt  }
0x6c: {  	_ =	shalt  }
0x6d: {  	_ =	shalt  }
0x6e: {  	_ =	shalt  }
0x6f: {  	_ =	shalt  }
0x70: {  	_ =	shalt  }
0x71: {  	_ =	shalt  }
0x72: {  	_ =	shalt  }
0x73: {  	_ =	shalt  }
0x74: {  	_ =	shalt  }
0x75: {  	_ =	shalt  }
0x76: {  	_ =	shalt  }
0x77: {  	_ =	shalt  }
0x78: {  	_ =	shalt  }
0x79: {  	_ =	shalt  }
0x7a: {  	_ =	shalt  }
0x7b: {  	_ =	shalt  }
0x7c: {  	_ =	shalt  }
0x7d: {  	_ =	shalt  }
0x7e: {  	_ =	shalt  }
0x7f: {  	_ =	shalt  }
0x80: {  	_ =	shalt  }
0x81: {  	_ =	shalt  }
0x82: {  	_ =	shalt  }
0x83: {  	_ =	shalt  }
0x84: {  	_ =	shalt  }
0x85: {  	_ =	shalt  }
0x86: {  	_ =	shalt  }
0x87: {  	_ =	shalt  }
.Lfunc_end0:
.L_simem_size_0:
called_computation.1_lowered:
.L_overlay_start_0:
0x88: {  	s2 =	sld [smem:$0x3FD9]  }
0x89: {  	s3 =	sld [smem:$0x3FFE];
	_ =	sdelay $0x1  }
0x8a: {  	s1 =	srdreg.scid  }
0x8b: {  	s0 =	sand.u32 $0x1, s1  }
0x8c: {  	s17 =	sshll.u32 s0, $0xA;
	s2 =	sadd.s32 s3, s2  }
0x8d: {  	s2 =	sadd.s32 s2, s17  }
0x8e: {  	[smem:$0x3FC6] =	sst s2  }
0x8f: {  	_ = 	snop  }
0x90: {  	s2 =	sld [smem:$0x3FD0];
	(tm) =	ssettm $0x1  }
0x91: {  	s18 =	sld [smem:$0x3FFB];
	_ =	sdelay $0x3  }
0x92: {  	_ =	strace s18  }
0x93: {  	s3 =	sld [smem:$0x3FFC];
	_ =	sdelay $0x3  }
0x94: {  	_ =	strace s3  }
0x95: {  	s3 =	sld [smem:$0x3FFD];
	_ =	sdelay $0x3  }
0x96: {  	_ =	strace s3  }
0x97: {  	_ =	strace $0x8FFFFFFF  }
0x98: {  	s19 =	sld [smem:$0x3FDB];
	_ =	sdelay $0x1  }
0x99: {  	s4 =	simm.s32 $_scs_section_size  }
0x9a: {  	s5 =	simm.s32 $_size__tile_overlayer_lowered;
	s6 =	simm.s32 $_tile_overlayer_lowered  }
0x9b: {  	s22 =	simm.s32 $0x1BFF;
	s21 =	sshll.u32 s6, $0x1;
	s3 =	sadd.s32 s4, s19  }
0x9c: {  	s7 =	simm.s32 $0x0;
	s20 =	sshll.u32 s5, $0x1;
	s5 =	sadd.s32 s21, s3  }
0x9d: {  	[timem:s7], [sflag:s22] =	dma.local [hbm:s5], s20  }
0x9e: {  	_ =	swait.ge [sflag:s22], s20  }
0x9f: {  	s4 =	ssub.s32 $0x0, s20;
	[sflag:s22] =	ssyncset.done $0x0  }
0xa0: {  	[sflag:s22] =	ssyncadd.s32 s4;
	_ =	sdelay $0x1  }
0xa1: {  	s23 =	simm.s32 $0x1B8B  }
0xa2: {  	_ =	swait.ge [sflag:s23], $0x1  }
0xa3: {  	[sflag:s23] =	ssyncset.done $0x0  }
0xa4: {  	s25 =	simm.s32 $0x1B8E;
	s24 =	sld [smem:$0x3FFE];
	[sflag:s23] =	ssyncadd.s32 $0xFFFFFFFF  }
0xa5: {  	s26 =	simm.s32 $execute0_lowered;
	[smem:$0x3FD2] =	sst s25  }
0xa6: {  	s5 =	sshll.u32 s26, $0x1;
	_ =	strace $0x80000046;
	[dreg:$0x1] =	wrdreg $0xFFFFFFFF  }
0xa7: {  	s28 =	simm.s32 $_size_execute0_lowered;
	s3 =	sadd.s32 s3, s5;
	[dreg:$0x0] =	wrdreg $0x0  }
0xa8: {  	s5 =	sshll.u32 s28, $0x1;
	[dreg:$0x2] =	wrdreg s3  }
0xa9: {  	[dreg:$0x3] =	wrdreg s5  }
0xaa: {  	[dreg:$0x4] =	wrdreg $0xC0  }
0xab: {  	_ =	task [dreg:s7], $0x5FFFF  }
0xac: {  	[dreg:$0x1] =	wrdreg $0xFFFFFFFF  }
0xad: {  	[dreg:$0x0] =	wrdreg $0x60  }
0xae: {  	[dreg:$0x2] =	wrdreg s2  }
0xaf: {  	[dreg:$0x3] =	wrdreg s24  }
0xb0: {  	[dreg:$0x4] =	wrdreg $0x9  }
0xb1: {  	_ =	task.clear_ibuf [dreg:s7], $0x5FFFF;
	_ =	strace $0x90000046  }
0xb2: {  	s29 =	simm.s32 $0x9;
	_ =	strace $0x80000048  }
0xb3: {  	_ =	swait.ge [sflag:s29], $0x1  }
0xb4: {  	[sflag:s29] =	ssyncadd.s32 $0xFFFFFFFF  }
0xb5: {  	_ =	strace $0x90000048  }
0xb6: {  	_ =	sfence  }
0xb7: {  	s30 =	sld [smem:$0x0];
	_ =	sdelay $0x2  }
0xb8: {  	s31 =	sshll.u32 s1, $0xD;
	s1 =	sshrl.u32 s1, $0x2  }
0xb9: {  	s3 =	sand.u32 $0x4000, s31;
	s1 =	sadd.s32 s1, s30  }
0xba: {  	s0 =	sor.u32 s3, s0;
	s1 =	sshll.u32 s1, $0x11  }
0xbb: {  	s0 =	sor.u32 s1, s0  }
0xbc: {  	s0 =	sadd.s32 $0x8F2B, s0  }
0xbd: {  	[sflag:s0] =	ssyncadd.remote.s32 $0x1  }
0xbe: {  	_ =	sfence.sel $0xFFFF  }
0xbf: {  	[dreg:$0x0] =	wrdreg $0xFFFFFFFF;
	(pc) =	sbr.abs _section_cstart, $3  }
0xc0: {  	[dreg:$0x1] =	wrdreg $0xFFFFFFFF  }
0xc1: {  	_ =	task.clear_ibuf [dreg:s7], $0x2FFFF;
	_ =	strace $0x9FFFFFFF  }
0xc2: {  	(tm) =	ssettm $0x7FFFFFFF  }
0xc3: {  	_ =	shalt  }
tec
execute0_lowered:
.L_overlay_start_1:
0x0: {  	(tag) =	ssettag $0x1  }
0x1: {  	s0 =	rddreg [dreg:$0x0]  }
0x2: {  	s1 =	rddreg [dreg:$0x1]  }
0x3: {  	s2 =	srdreg.scid;
	s8 =	stileid.u32;
	s5 =	simm.s32 $0x0  }
0x4: {  	s9 =	simm.s32 $0xC8;
	s10 =	simm.s32 $0x6400;
	s11 =	simm.s32 $0x7D00  }
0x5: {  	s13 =	simm.s32 $0x9600;
	s15 =	simm.s32 $0xAF00;
	s17 =	simm.s32 $0xC800  }
0x6: {  	s19 =	simm.s32 $0xE100;
	s20 =	simm.s32 $0x1;
	s21 =	simm.s32 $0x20  }
0x7: {  	s28 =	simm.s32 $0x4;
	s29 =	simm.s32 $0x5;
	s30 =	simm.s32 $0x6  }
0x8: {  	s31 =	simm.s32 $0x8;
	s18 =	simm.s32 $0xE;
	s2 =	sand.u32 $0x1, s2  }
0x9: {  	s3 =	sshll.u32 s8, $0x8;
	[smem:$0x7FF] =	sst s5;
	s23 =	smul.u32 $0xC8000, s8  }
0xa: {  	s4 =	sshll.u32 s2, $0x7;
	_ =	strace $0x80000047;
	s22 =	ssub.s32 $0x2, s2  }
0xb: {  	s2 =	smul.u32 $0x64000, s2;
	s4 =	sor.u32 s4, s3;
	s3 =	sadd.s32 $0xF42E00, s1  }
0xc: {  	s7 =	sshrl.u32 s22, $0x1;
	s1 =	sadd.s32 $0xA00, s1;
	s6 =	smul.u32 $0x19, s4  }
0xd: {  	s4 =	smul.u32 $0xC80, s4;
	s5 =	ssub.s32 s22, s7;
	s26 =	sadd.s32 s23, s1  }
.Ltmp0:
0xe: {  	s22 =	simm.s32 $0x80;
	s23 =	simm.s32 $0xFA00;
	(pc) =	sbr.rel .LBB2_1-.Ltmp0, $4  }
0xf: {  	s25 =	smax.u32 s5, $0x1;
	s5 =	simm.s32 $0x0;
	s0 =	sadd.s32 s0, s6  }
0x10: {  	s24 =	sadd.s32 s1, s4;
	[dreg:$0x4] =	wrdreg s25;
	s25 =	simm.s32 $0x11300  }
0x11: {  	[dreg:$0x3] =	wrdreg s0;
	s6 =	sadd.s32 $0x62700, s24;
	s0 =	sadd.s32 s2, s26  }
0x12: {  	s24 =	simm.s32 $0x2;
	s26 =	simm.s32 $0x3;
	[dreg:$0x5] =	wrdreg s0  }
.LBB2_4:
0x13: {  	s0 =	simm.s32 $0x9  }
0x14: {  	_ =	swait.ge [sflag:s0], $0x1900  }
0x15: {  	[sflag:s0] =	ssyncset.done $0x0  }
0x16: {  	s4 =	simm.s32 $0xA;
	[sflag:s0] =	ssyncadd.s32 $0xFFFFE700  }
0x17: {  	_ =	swait.ge [sflag:s4], $0x1900  }
0x18: {  	[sflag:s4] =	ssyncset.done $0x0  }
0x19: {  	s7 =	simm.s32 $0xB;
	[sflag:s4] =	ssyncadd.s32 $0xFFFFE700  }
0x1a: {  	_ =	swait.ge [sflag:s7], $0x1900  }
0x1b: {  	[sflag:s7] =	ssyncset.done $0x0  }
0x1c: {  	s8 =	simm.s32 $0xC;
	[sflag:s7] =	ssyncadd.s32 $0xFFFFE700  }
0x1d: {  	_ =	swait.ge [sflag:s8], $0x1900  }
0x1e: {  	[sflag:s8] =	ssyncset.done $0x0  }
0x1f: {  	s12 =	simm.s32 $0xD;
	[sflag:s8] =	ssyncadd.s32 $0xFFFFE700  }
0x20: {  	_ =	swait.ge [sflag:s12], $0x1900  }
0x21: {  	[sflag:s12] =	ssyncset.done $0x0  }
0x22: {  	[sflag:s12] =	ssyncadd.s32 $0xFFFFE700  }
0x23: {  	_ =	swait.ge [sflag:s18], $0x1900  }
0x24: {  	[sflag:s18] =	ssyncset.done $0x0  }
0x25: {  	s14 =	simm.s32 $0xF;
	[sflag:s18] =	ssyncadd.s32 $0xFFFFE700  }
0x26: {  	_ =	swait.ge [sflag:s14], $0x1900  }
0x27: {  	[sflag:s14] =	ssyncset.done $0x0  }
0x28: {  	s1 =	simm.s32 $0x10;
	[sflag:s14] =	ssyncadd.s32 $0xFFFFE700  }
0x29: {  	_ =	swait.ge [sflag:s1], $0x1900  }
0x2a: {  	s5 =	sadd.s32 $0x1, s5;
	s16 =	rddreg [dreg:$0x4]  }
0x2b: {  	p0 =	sne.s32 s5, s16  }
.Ltmp1:
0x2c: {  	_ = 	snop;
	(pc) =	sbr.rel @!p0 .LBB2_5-.Ltmp1, $3  }
0x2d: {  	_ =	sdelay $0x1  }
0x2e: {  	[sflag:s1] =	ssyncset.done $0x0  }
0x2f: {  	[sflag:s1] =	ssyncadd.s32 $0xFFFFE700  }
.LBB2_1:
0x30: {  	s0 =	simm.s32 $0x0;
	s1 =	rddreg [dreg:$0x3];
	s7 =	simm.s32 $0x11  }
0x31: {  	[tilespmem:s0], [sflag:$0x11] =	stream.linear.gather [hbm4b:s1+s0], $0x6400, $0x38;
	[tilespmem:$0x12C00] =	vst v63  }
0x32: {  	_ =	swait.ge [sflag:s7], $0x6400  }
0x33: {  	[sflag:s7] =	ssyncset.done $0x0  }
0x34: {  	[sflag:s7] =	ssyncadd.s32 $0xFFFF9C00  }
0x35: {  	[tilespmem:s10], [sflag:$0x1] =	stream.indirect.gather [hbm4b:s3+s9], $0x20, s0, s9, $0xb8;
	[tilespmem:$0x12C00] =	vst v63  }
0x36: {  	_ = 	snop  }
0x37: {  	[tilespmem:s11], [sflag:$0x2] =	stream.indirect.gather [hbm4b:s3+s9], $0x20, s9, s9, $0xb8;
	[tilespmem:$0x12C00] =	vst v63  }
0x38: {  	s8 =	simm.s32 $0x190  }
0x39: {  	[tilespmem:s13], [sflag:$0x3] =	stream.indirect.gather [hbm4b:s3+s9], $0x20, s8, s9, $0xb8;
	[tilespmem:$0x12C00] =	vst v63  }
0x3a: {  	s12 =	simm.s32 $0x258  }
0x3b: {  	[tilespmem:s15], [sflag:$0x4] =	stream.indirect.gather [hbm4b:s3+s9], $0x20, s12, s9, $0xb8;
	[tilespmem:$0x12C00] =	vst v63  }
0x3c: {  	s14 =	simm.s32 $0x320  }
0x3d: {  	[tilespmem:s17], [sflag:$0x5] =	stream.indirect.gather [hbm4b:s3+s9], $0x20, s14, s9, $0xb8;
	[tilespmem:$0x12C00] =	vst v63  }
0x3e: {  	s16 =	simm.s32 $0x3E8;
	s7 =	rddreg [dreg:$0x5];
	s8 =	simm.s32 $0x0  }
0x3f: {  	[tilespmem:s19], [sflag:$0x6] =	stream.indirect.gather [hbm4b:s3+s9], $0x20, s16, s9, $0xb8;
	[tilespmem:$0x12C00] =	vst v63  }
.LBB2_2:
0x40: {  	_ =	swait.ge [sflag:s20], $0x1900  }
0x41: {  	p0 =	seq.s32 s8, $0x0;
	[sflag:s20] =	ssyncset.done $0x0  }
0x42: {  	s1 =	simm.s32 @!p0 $0xF;
	[sflag:s20] =	ssyncadd.s32 $0xFFFFE700  }
0x43: {  	[hbm4b:s7+s21] =	stream.strided.scatter [tilespmem:s10], [sflag:$0x9], $0x1900, s22, s21, $0x38;
	[tilespmem:$0x12C00] =	vst v63  }
0x44: {  	_ =	swait.ge @!p0 [sflag:s1], $0x1900  }
0x45: {  	s0 =	sshra.s32 s8, $0x2;
	[sflag:s1] =	ssyncset.done @!p0 $0x0  }
0x46: {  	s2 =	sadd.s32 $0x4B0, s0;
	[sflag:s1] =	ssyncadd.s32 @!p0 $0xFFFFE700  }
0x47: {  	[tilespmem:s23], [sflag:$0x7] =	stream.indirect.gather [hbm4b:s3+s9], $0x20, s2, s9, $0xb8;
	[tilespmem:$0x12C00] =	vst v63  }
0x48: {  	_ =	swait.ge [sflag:s24], $0x1900  }
0x49: {  	[sflag:s24] =	ssyncset.done $0x0  }
0x4a: {  	s4 =	sadd.s32 $0xC80, s7;
	s1 =	simm.s32 @!p0 $0x10;
	[sflag:s24] =	ssyncadd.s32 $0xFFFFE700  }
0x4b: {  	[hbm4b:s4+s21] =	stream.strided.scatter [tilespmem:s11], [sflag:$0xA], $0x1900, s22, s21, $0x38;
	[tilespmem:$0x12C00] =	vst v63  }
0x4c: {  	_ =	swait.ge @!p0 [sflag:s1], $0x1900  }
0x4d: {  	[sflag:s1] =	ssyncset.done @!p0 $0x0  }
0x4e: {  	s12 =	sadd.s32 $0x578, s0;
	[sflag:s1] =	ssyncadd.s32 @!p0 $0xFFFFE700  }
0x4f: {  	[tilespmem:s25], [sflag:$0x8] =	stream.indirect.gather [hbm4b:s3+s9], $0x20, s12, s9, $0xb8;
	[tilespmem:$0x12C00] =	vst v63  }
0x50: {  	_ =	swait.ge [sflag:s26], $0x1900  }
0x51: {  	p0 =	seq.s32 s8, $0x17700;
	[sflag:s26] =	ssyncset.done $0x0  }
0x52: {  	s14 =	sadd.s32 $0x1900, s7;
	s1 =	simm.s32 @!p0 $0x9;
	[sflag:s26] =	ssyncadd.s32 $0xFFFFE700  }
0x53: {  	[hbm4b:s14+s21] =	stream.strided.scatter [tilespmem:s13], [sflag:$0xB], $0x1900, s22, s21, $0x38;
	[tilespmem:$0x12C00] =	vst v63  }
0x54: {  	_ =	swait.ge @!p0 [sflag:s1], $0x1900  }
0x55: {  	[sflag:s1] =	ssyncset.done @!p0 $0x0  }
0x56: {  	[sflag:s1] =	ssyncadd.s32 @!p0 $0xFFFFE700;
	s1 =	sshra.s32 @!p0 s8, $0x2  }
0x57: {  	s16 =	simm.s32 @!p0 $0x6400;
	s14 =	simm.s32 @!p0 $0xC8;
	s12 =	sadd.s32 @!p0 $0x640, s1  }
0x58: {  	[tilespmem:s16], [sflag:$0x1] =	stream.indirect.gather @!p0 [hbm4b:s3+s14], $0x20, s12, s14, $0xb8;
	[tilespmem:$0x12C00] =	vst v63  }
0x59: {  	_ =	swait.ge [sflag:s28], $0x1900  }
0x5a: {  	[sflag:s28] =	ssyncset.done $0x0  }
0x5b: {  	s16 =	sadd.s32 $0x2580, s7;
	s12 =	simm.s32 @!p0 $0xA;
	[sflag:s28] =	ssyncadd.s32 $0xFFFFE700  }
0x5c: {  	[hbm4b:s16+s21] =	stream.strided.scatter [tilespmem:s15], [sflag:$0xC], $0x1900, s22, s21, $0x38;
	[tilespmem:$0x12C00] =	vst v63  }
0x5d: {  	_ =	swait.ge @!p0 [sflag:s12], $0x1900  }
0x5e: {  	[sflag:s12] =	ssyncset.done @!p0 $0x0  }
0x5f: {  	s16 =	simm.s32 @!p0 $0x7D00;
	[sflag:s12] =	ssyncadd.s32 @!p0 $0xFFFFE700;
	s12 =	sadd.s32 @!p0 $0x708, s1  }
0x60: {  	[tilespmem:s16], [sflag:$0x2] =	stream.indirect.gather @!p0 [hbm4b:s3+s14], $0x20, s12, s14, $0xb8;
	[tilespmem:$0x12C00] =	vst v63  }
0x61: {  	_ =	swait.ge [sflag:s29], $0x1900  }
0x62: {  	[sflag:s29] =	ssyncset.done $0x0  }
0x63: {  	s2 =	sadd.s32 $0x3200, s7;
	s12 =	simm.s32 @!p0 $0xB;
	[sflag:s29] =	ssyncadd.s32 $0xFFFFE700  }
0x64: {  	[hbm4b:s2+s21] =	stream.strided.scatter [tilespmem:s17], [sflag:$0xD], $0x1900, s22, s21, $0x38;
	[tilespmem:$0x12C00] =	vst v63  }
0x65: {  	_ =	swait.ge @!p0 [sflag:s12], $0x1900  }
0x66: {  	[sflag:s12] =	ssyncset.done @!p0 $0x0  }
0x67: {  	s16 =	simm.s32 @!p0 $0x9600;
	[sflag:s12] =	ssyncadd.s32 @!p0 $0xFFFFE700;
	s12 =	sadd.s32 @!p0 $0x7D0, s1  }
0x68: {  	[tilespmem:s16], [sflag:$0x3] =	stream.indirect.gather @!p0 [hbm4b:s3+s14], $0x20, s12, s14, $0xb8;
	[tilespmem:$0x12C00] =	vst v63  }
0x69: {  	_ =	swait.ge [sflag:s30], $0x1900  }
0x6a: {  	[sflag:s30] =	ssyncset.done $0x0  }
0x6b: {  	s4 =	sadd.s32 $0x3E80, s7;
	s12 =	simm.s32 @p0 $0x7;
	[sflag:s30] =	ssyncadd.s32 $0xFFFFE700  }
0x6c: {  	[hbm4b:s4+s21] =	stream.strided.scatter [tilespmem:s19], [sflag:$0xE], $0x1900, s22, s21, $0x38;
	[tilespmem:$0x12C00] =	vst v63  }
0x6d: {  	_ =	swait.ge @p0 [sflag:s12], $0x1900  }
0x6e: {  	s2 =	simm.s32 @p0 $0xFA00;
	[sflag:s12] =	ssyncset.done @p0 $0x0  }
0x6f: {  	s16 =	simm.s32 @p0 $0x80;
	[sflag:s12] =	ssyncadd.s32 @p0 $0xFFFFE700;
	s12 =	simm.s32 @p0 $0x20  }
0x70: {  	[hbm4b:s6+s12] =	stream.strided.scatter @p0 [tilespmem:s2], [sflag:$0xF], $0x1900, s16, s12, $0x38;
	[tilespmem:$0x12C00] =	vst v63  }
0x71: {  	s2 =	simm.s32 @!p0 $0xC  }
0x72: {  	_ =	swait.ge @!p0 [sflag:s2], $0x1900  }
0x73: {  	[sflag:s2] =	ssyncset.done @!p0 $0x0  }
0x74: {  	s12 =	simm.s32 @!p0 $0xAF00;
	[sflag:s2] =	ssyncadd.s32 @!p0 $0xFFFFE700;
	s2 =	sadd.s32 @!p0 $0x898, s1  }
0x75: {  	[tilespmem:s12], [sflag:$0x4] =	stream.indirect.gather @!p0 [hbm4b:s3+s14], $0x20, s2, s14, $0xb8;
	[tilespmem:$0x12C00] =	vst v63  }
0x76: {  	s2 =	simm.s32 @!p0 $0x7  }
0x77: {  	_ =	swait.ge @!p0 [sflag:s2], $0x1900  }
0x78: {  	s4 =	simm.s32 @!p0 $0xFA00;
	s16 =	simm.s32 @!p0 $0x80;
	[sflag:s2] =	ssyncset.done @!p0 $0x0  }
0x79: {  	s12 =	simm.s32 @!p0 $0x20;
	[sflag:s2] =	ssyncadd.s32 @!p0 $0xFFFFE700;
	s2 =	sadd.s32 @!p0 $0x4B00, s7  }
0x7a: {  	[hbm4b:s2+s12] =	stream.strided.scatter @!p0 [tilespmem:s4], [sflag:$0xF], $0x1900, s16, s12, $0x38;
	[tilespmem:$0x12C00] =	vst v63  }
0x7b: {  	s2 =	simm.s32 @!p0 $0xD  }
0x7c: {  	_ =	swait.ge @!p0 [sflag:s2], $0x1900  }
0x7d: {  	[sflag:s2] =	ssyncset.done @!p0 $0x0  }
0x7e: {  	s1 =	sadd.s32 @!p0 $0x960, s1;
	[sflag:s2] =	ssyncadd.s32 @!p0 $0xFFFFE700;
	s2 =	simm.s32 @!p0 $0xC800  }
0x7f: {  	[tilespmem:s2], [sflag:$0x5] =	stream.indirect.gather @!p0 [hbm4b:s3+s14], $0x20, s1, s14, $0xb8;
	[tilespmem:$0x12C00] =	vst v63  }
.Ltmp2:
0x80: {  	_ = 	snop;
	(pc) =	sbr.rel @p0 .LBB2_4-.Ltmp2, $4  }
0x81: {  	_ =	swait.ge [sflag:s31], $0x1900  }
0x82: {  	[sflag:s31] =	ssyncset.done $0x0  }
0x83: {  	s16 =	sadd.s32 $0x5780, s7;
	[sflag:s31] =	ssyncadd.s32 $0xFFFFE700  }
0x84: {  	[hbm4b:s16+s21] =	stream.strided.scatter [tilespmem:s25], [sflag:$0x10], $0x1900, s22, s21, $0x38;
	[tilespmem:$0x12C00] =	vst v63  }
.Ltmp3:
0x85: {  	(pc) =	sbr.rel .LBB2_2-.Ltmp3, $4  }
0x86: {  	_ =	swait.ge [sflag:s18], $0x1900  }
0x87: {  	s0 =	sadd.s32 $0xA28, s0;
	[sflag:s18] =	ssyncset.done $0x0  }
0x88: {  	s8 =	sadd.s32 $0x1900, s8;
	s7 =	sadd.s32 $0x6400, s7;
	[sflag:s18] =	ssyncadd.s32 $0xFFFFE700  }
0x89: {  	[tilespmem:s19], [sflag:$0x6] =	stream.indirect.gather [hbm4b:s3+s9], $0x20, s0, s9, $0xb8;
	[tilespmem:$0x12C00] =	vst v63  }
.LBB2_5:
0x8a: {  	_ =	sfence.sel $0x180000  }
0x8b: {  	[bflag:$0x0] =	sbarrier.arrive $0xFFFF  }
0x8c: {  	_ =	strace $0x90000047  }
0x8d: {  	s0 =	stileid.u32;
	[bflag:$0x2] =	sbarrier.arrive $0xFFFF  }
0x8e: {  	p0 =	sne.s32 s0, $0x0;
	s0 =	rddreg [dreg:$0x2]  }
0x8f: {  	s0 =	sadd.s32 @!p0 $0x100000, s0  }
0x90: {  	[sflag:s0] =	ssyncadd.tile.s32 @!p0 $0x1;
	_ =	shalt  }
.Lfunc_end2:
_tile_overlayer_lowered:
.L_overlay_start_2:
0x91: {  	(tag) =	ssettag $0x2  }
0x92: {  	s0 =	rddreg [dreg:$0x0];
	s2 =	stileid.u32  }
0x93: {  	s1 =	rddreg [dreg:$0x1];
	p0 =	sne.s32 s2, $0x0  }
0x94: {  	s3 =	rddreg [dreg:$0x2];
	[bflag:$0x3] =	sbarrier.arrive $0xFFFF;
	s2 =	simm.s32 @!p0 $0x1C11  }
0x95: {  	[timem:s3], [sflag:s2] =	dma.local @!p0 [hbm:s0], s1  }
0x96: {  	s0 =	simm.s32 @!p0 $0x11  }
0x97: {  	_ =	swait.ge @!p0 [sflag:s0], s1  }
0x98: {  	s1 =	ssub.s32 @!p0 $0x0, s1;
	[sflag:s0] =	ssyncset.done @!p0 $0x0  }
0x99: {  	[sflag:s0] =	ssyncadd.s32 @!p0 s1  }
0x9a: {  	[bflag:$0x3] =	sbarrier.arrive $0xFFFF  }
0x9b: {  	_ =	shalt  }

// kernel: sparse-core-data-format-call.cloned.1.call-start
scs
called_computation_lowered:
.L_overlay_start_0:
0x0: {  	s2 =	sld [smem:$0x3FD9]  }
0x1: {  	s3 =	sld [smem:$0x3FFE];
	_ =	sdelay $0x1  }
0x2: {  	s1 =	srdreg.scid  }
0x3: {  	s0 =	sand.u32 $0x1, s1  }
0x4: {  	s18 =	sshll.u32 s0, $0xA;
	s2 =	sadd.s32 s3, s2  }
0x5: {  	s2 =	sadd.s32 s2, s18  }
0x6: {  	[smem:$0x3FC6] =	sst s2  }
0x7: {  	_ = 	snop  }
0x8: {  	s2 =	sld [smem:$0x3FD0];
	(tm) =	ssettm $0x1  }
0x9: {  	s19 =	sld [smem:$0x3FFB];
	_ =	sdelay $0x3  }
0xa: {  	_ =	strace s19  }
0xb: {  	s3 =	sld [smem:$0x3FFC];
	_ =	sdelay $0x3  }
0xc: {  	_ =	strace s3  }
0xd: {  	s3 =	sld [smem:$0x3FFD];
	_ =	sdelay $0x3  }
0xe: {  	_ =	strace s3  }
0xf: {  	_ =	strace $0x8FFFFFFF  }
0x10: {  	s20 =	sld [smem:$0x3FDB];
	_ =	sdelay $0x1  }
0x11: {  	s4 =	simm.s32 $_scs_section_size  }
0x12: {  	s5 =	simm.s32 $_size__tile_overlayer_lowered;
	s6 =	simm.s32 $_tile_overlayer_lowered  }
0x13: {  	s23 =	simm.s32 $0x1BFF;
	s22 =	sshll.u32 s6, $0x1;
	s3 =	sadd.s32 s4, s20  }
0x14: {  	s7 =	simm.s32 $0x0;
	s21 =	sshll.u32 s5, $0x1;
	s5 =	sadd.s32 s22, s3  }
0x15: {  	[timem:s7], [sflag:s23] =	dma.local [hbm:s5], s21  }
0x16: {  	_ =	swait.ge [sflag:s23], s21  }
0x17: {  	s4 =	ssub.s32 $0x0, s21;
	[sflag:s23] =	ssyncset.done $0x0  }
0x18: {  	[sflag:s23] =	ssyncadd.s32 s4;
	_ =	sdelay $0x1  }
0x19: {  	s24 =	simm.s32 $0x1B8B  }
0x1a: {  	_ =	swait.ge [sflag:s24], $0x1  }
0x1b: {  	[sflag:s24] =	ssyncset.done $0x0  }
0x1c: {  	s26 =	simm.s32 $0x1B8E;
	s25 =	sld [smem:$0x3FFE];
	[sflag:s24] =	ssyncadd.s32 $0xFFFFFFFF  }
0x1d: {  	s27 =	simm.s32 $execute0_lowered;
	[smem:$0x3FD2] =	sst s26  }
0x1e: {  	s5 =	sshll.u32 s27, $0x1;
	_ =	strace $0x80000049;
	[dreg:$0x1] =	wrdreg $0xFFFFFFFF  }
0x1f: {  	s28 =	simm.s32 $_size_execute0_lowered;
	s3 =	sadd.s32 s3, s5;
	[dreg:$0x0] =	wrdreg $0x0  }
0x20: {  	s5 =	sshll.u32 s28, $0x1;
	[dreg:$0x2] =	wrdreg s3  }
0x21: {  	[dreg:$0x3] =	wrdreg s5  }
0x22: {  	[dreg:$0x4] =	wrdreg $0xC0  }
0x23: {  	_ =	task [dreg:s7], $0x5FFFF  }
0x24: {  	[dreg:$0x1] =	wrdreg $0xFFFFFFFF  }
0x25: {  	[dreg:$0x0] =	wrdreg $0x60  }
0x26: {  	[dreg:$0x2] =	wrdreg s25  }
0x27: {  	[dreg:$0x3] =	wrdreg s2  }
0x28: {  	[dreg:$0x4] =	wrdreg $0x9  }
0x29: {  	_ =	task.clear_ibuf [dreg:s7], $0x5FFFF;
	_ =	strace $0x90000049  }
0x2a: {  	s29 =	simm.s32 $0x9;
	_ =	strace $0x8000004B  }
0x2b: {  	_ =	swait.ge [sflag:s29], $0x1  }
0x2c: {  	[sflag:s29] =	ssyncadd.s32 $0xFFFFFFFF  }
0x2d: {  	_ =	strace $0x9000004B  }
0x2e: {  	_ =	sfence  }
0x2f: {  	s30 =	sld [smem:$0x0];
	_ =	sdelay $0x2  }
0x30: {  	s31 =	sshll.u32 s1, $0xD;
	s1 =	sshrl.u32 s1, $0x2  }
0x31: {  	s3 =	sand.u32 $0x4000, s31;
	s1 =	sadd.s32 s1, s30  }
0x32: {  	s0 =	sor.u32 s3, s0;
	s1 =	sshll.u32 s1, $0x11  }
0x33: {  	s0 =	sor.u32 s1, s0  }
0x34: {  	s0 =	sadd.s32 $0x8F2B, s0  }
0x35: {  	[sflag:s0] =	ssyncadd.remote.s32 $0x1  }
0x36: {  	_ =	sfence.sel $0xFFFF  }
0x37: {  	[dreg:$0x0] =	wrdreg $0xFFFFFFFF;
	(pc) =	sbr.abs _section_cstart, $3  }
0x38: {  	[dreg:$0x1] =	wrdreg $0xFFFFFFFF  }
0x39: {  	_ =	task.clear_ibuf [dreg:s7], $0x2FFFF;
	_ =	strace $0x9FFFFFFF  }
0x3a: {  	(tm) =	ssettm $0x7FFFFFFF  }
0x3b: {  	_ =	shalt  }
tec
execute0_lowered:
.L_overlay_start_1:
0x0: {  	(tag) =	ssettag $0x1  }
0x1: {  	s0 =	srdreg.scid  }
0x2: {  	s1 =	sshll.u32 s0, $0x4  }
0x3: {  	s0 =	stileid.u32;
	s1 =	sand.u32 $0x10, s1  }
0x4: {  	s1 =	sor.u32 s0, s1  }
0x5: {  	s6 =	rddreg [dreg:$0x0];
	s4 =	simm.s32 $0x1;
	s2 =	sshll.u32 s1, $0x7  }
0x6: {  	s7 =	simm.s32 $0x2;
	s12 =	simm.s32 $0x0;
	s1 =	ssub.s32 $0x1000, s2  }
0x7: {  	s8 =	simm.s32 $0x8000;
	s13 =	simm.s32 $0x0;
	s3 =	sand.u32 $0xF80, s1  }
0x8: {  	s9 =	simm.s32 $0x0;
	s5 =	sshrl.u32 s1, $0xC;
	p0 =	sne.s32 s3, $0x0  }
.Ltmp0:
0x9: {  	s1 =	rddreg [dreg:$0x2];
	s4 =	simm.s32 @!p0 $0x0;
	(pc) =	sbr.rel .LBB1_1-.Ltmp0, $4  }
0xa: {  	s11 =	simm.s32 $0x0;
	s3 =	rddreg [dreg:$0x1];
	s5 =	sadd.s32 s4, s5  }
0xb: {  	_ =	strace $0x8000004A;
	s4 =	simm.s32 $0x1;
	s5 =	smul.u32 $0xC8, s5  }
0xc: {  	s6 =	sadd.s32 $0xA00, s6;
	s10 =	smov.u32 s2;
	[sflag:s4] =	ssyncpa.u1 $0x0  }
0xd: {  	p0 =	por $0x0, $0x0;
	[sflag:s7] =	ssyncpa.u1 $0x0;
	s7 =	sor.u32 $0x1, s5  }
.LBB1_4:
0xe: {  	s16 =	sshll.u32 s13, $0x3;
	s17 =	sand.u32 $0x78, s13  }
0xf: {  	s30 =	sand.u32 $0x3E00, s13;
	s12 =	sshll.u32 s12, $0xE;
	s16 =	sand.u32 $0xC00, s16  }
0x10: {  	s31 =	sand.u32 $0x7, s13;
	s16 =	sor.u32 s17, s16;
	s17 =	sadd.s32 s3, s30  }
0x11: {  	s13 =	sshll.u32 s31, $0x12;
	s16 =	sshrl.u32 s16, $0x3;
	s12 =	sadd.s32 s12, s17  }
0x12: {  	[tilespmem:s15+$0x0 ss:$0x81] =	vst.msk $0xffff, v0;
	s13 =	sor.u32 $0x400, s13;
	s12 =	sadd.s32 s16, s12  }
0x13: {  	[hbm4b:s12+s13] =	stream.strided.scatter [tilespmem:s14], [sflag:$0x2], $0x1000, s8, s13, $0x20;
	[tilespmem:$0x4040] =	vst v63  }
.LBB1_5:
0x14: {  	s14 =	sadd.s32 $0x1, s9  }
0x15: {  	s12 =	sadd.s32 $0x1000, s10;
	s16 =	smov.u32 s10;
	p2 =	sgt.s32 s14, $0xC7  }
0x16: {  	s16 =	smov.u32 @p2 s12  }
0x17: {  	s14 =	simm.s32 @p2 $0x0;
	p2 =	sgt.s32 s16, $0xFFF  }
0x18: {  	s16 =	smov.u32 @p2 s2;
	p2 =	sne.s32 s11, s7  }
.Ltmp1:
0x19: {  	p1 =	slt.u32 s11, $0x2;
	(pc) =	sbr.rel @!p2 .LBB1_6-.Ltmp1, $4  }
0x1a: {  	s15 =	simm.s32 @!p1 $0x2  }
0x1b: {  	s13 =	smov.u32 s10;
	p0 =	por !p0, !p0;
	_ =	swait.ge @!p1 [sflag:s15], $0x1000  }
0x1c: {  	s12 =	smov.u32 s9;
	[sflag:s15] =	ssyncset.done @!p1 $0x0;
	s9 =	smov.u32 s14  }
0x1d: {  	s11 =	sadd.s32 $0x1, s11;
	[sflag:s15] =	ssyncadd.s32 @!p1 $0xFFFFF000;
	s10 =	smov.u32 s16  }
.LBB1_1:
0x1e: {  	p1 =	sge.u32 s11, s5  }
0x1f: {  	s14 =	sand.u32 @!p1 $0x1FFFFFF, s9  }
0x20: {  	s15 =	smulhi.u32 @!p1 $0x147AE15, s14;
	_ =	sdelay $0x1  }
0x21: {  	s15 =	smul.u32 @!p1 $0xC8, s15  }
0x22: {  	s16 =	sxor.u32 @!p1 $0xFFFFFFFF, s11;
	s17 =	smul.u32 @!p1 $0xC80, s10  }
0x23: {  	s31 =	sadd.s32 $0xFFFFFFFF, s11;
	s16 =	sshll.u32 @!p1 s16, $0xC;
	s14 =	ssub.s32 @!p1 s14, s15  }
0x24: {  	s15 =	sand.u32 @!p1 $0x1000, s16;
	s16 =	sadd.s32 @!p1 s6, s17;
	s14 =	sshll.u32 @!p1 s14, $0x4  }
0x25: {  	s17 =	simm.s32 @!p1 $0x6400;
	s14 =	sadd.s32 @!p1 s14, s16;
	s16 =	simm.s32 @!p1 $0x20  }
0x26: {  	[tilespmem:s15], [sflag:$0x1] =	stream.strided.gather @!p1 [hbm4b:s14+s16], $0x1000, s17, s16, $0x38;
	[tilespmem:$0x4040] =	vst v63  }
0x27: {  	p1 =	sge.u32 s31, s5  }
.Ltmp2:
0x28: {  	_ = 	snop;
	(pc) =	sbr.rel @p1 .LBB1_5-.Ltmp2, $1  }
0x29: {  	_ =	sdelay $0x3  }
0x2a: {  	s14 =	simm.s32 $0x1  }
0x2b: {  	_ =	swait.ge [sflag:s4], $0x1000;
	s14 =	simm.s32 @!p0 $0x0  }
0x2c: {  	[sflag:s4] =	ssyncset.done $0x0;
	s15 =	sshll.u32 s14, $0xC  }
0x2d: {  	[sflag:s4] =	ssyncadd.s32 $0xFFFFF000;
	s18 =	sor.u32 $0x10, s15  }
0x2e: {  	s14 =	smul.u32 $0x4080, s14;
	v1 =	vld [tilespmem:s18+$0x0]  }
0x2f: {  	s30 =	sand.u32 $0x1, s11;
	v0 =	vld [tilespmem:s18+$0xFFFFFFF0]  }
0x30: {  	s15 =	smul.u32 $0x4080, s30;
	s14 =	sshrl.u32 s14, $0x2  }
0x31: {  	s16 =	sor.u32 $0x2000, s14  }
0x32: {  	s31 =	sshrl.u32 s15, $0x2;
	s15 =	sadd.s32 $0x0, s16  }
0x33: {  	s17 =	simm.s32 $0x4;
	s18 =	sadd.s32 $0x20, s18;
	s14 =	sor.u32 $0x2000, s31;
	[tilespmem:s15+$0x810 ss:$0x81] =	vst.msk $0xffff, v1  }
.LBB1_3:
0x34: {  	v1 =	vld [tilespmem:s18+$0x0];
	p1 =	sne.s32 s17, $0x1FC;
	[tilespmem:s15+$0x0 ss:$0x81] =	vst.msk $0xffff, v0;
	s15 =	smov.u32 s17;
	s17 =	sadd.s32 $0x4, s17  }
.Ltmp3:
0x35: {  	v0 =	vld [tilespmem:s18+$0xFFFFFFF0];
	(pc) =	sbr.rel @p1 .LBB1_3-.Ltmp3, $4  }
0x36: {  	_ = 	snop  }
0x37: {  	s15 =	sshra.s32 s15, $0x2  }
0x38: {  	s15 =	sadd.s32 s15, s16  }
0x39: {  	s18 =	sadd.s32 $0x20, s18;
	[tilespmem:s15+$0x810 ss:$0x81] =	vst.msk $0xffff, v1  }
.Ltmp4:
0x3a: {  	_ = 	snop;
	(pc) =	sbr.rel .LBB1_4-.Ltmp4, $1  }
0x3b: {  	_ =	sdelay $0x3  }
.LBB1_6:
0x3c: {  	_ =	sfence.sel $0x180000  }
0x3d: {  	s2 =	simm.s32 $0x1;
	[bflag:$0x0] =	sbarrier.arrive $0xFFFF  }
0x3e: {  	s31 =	simm.s32 $0x2;
	[sflag:s2] =	ssyncpa.u1 $0x1  }
0x3f: {  	[sflag:s31] =	ssyncpa.u1 $0x1  }
0x40: {  	p0 =	sne.s32 s0, $0x0;
	_ =	strace $0x9000004A  }
0x41: {  	s0 =	sadd.s32 @!p0 $0x100000, s1;
	[bflag:$0x2] =	sbarrier.arrive $0xFFFF  }
0x42: {  	[sflag:s0] =	ssyncadd.tile.s32 @!p0 $0x1;
	_ =	shalt  }
.Lfunc_end1:
_tile_overlayer_lowered:
.L_overlay_start_2:
0x43: {  	(tag) =	ssettag $0x2  }
0x44: {  	s0 =	rddreg [dreg:$0x0];
	s2 =	stileid.u32  }
0x45: {  	s1 =	rddreg [dreg:$0x1];
	p0 =	sne.s32 s2, $0x0  }
0x46: {  	s3 =	rddreg [dreg:$0x2];
	[bflag:$0x3] =	sbarrier.arrive $0xFFFF;
	s2 =	simm.s32 @!p0 $0x1C01  }
0x47: {  	[timem:s3], [sflag:s2] =	dma.local @!p0 [hbm:s0], s1  }
0x48: {  	s0 =	simm.s32 @!p0 $0x1  }
0x49: {  	_ =	swait.ge @!p0 [sflag:s0], s1  }
0x4a: {  	s1 =	ssub.s32 @!p0 $0x0, s1;
	[sflag:s0] =	ssyncset.done @!p0 $0x0  }
0x4b: {  	[sflag:s0] =	ssyncadd.s32 @!p0 s1  }
0x4c: {  	[bflag:$0x3] =	sbarrier.arrive $0xFFFF  }
0x4d: {  	_ =	shalt  }

</sc_bundles>
